<compile_context>
chip_gen: v7x
topology: tpu7x:2x2x1
jax: 0.10.2.dev20260603
libtpu: 0.0.44.dev20260713+nightly
codegen_flags: <defaults>
</compile_context>

<pallas_src>
import functools

import jax
import jax.numpy as jnp
from jax import lax
from jax.experimental import pallas as pl
from jax.experimental.pallas import tpu as pltpu
from jax.experimental.pallas import tpu_sc as plsc

_NB_TASKS = 100000
_SIZE = 128
_BATCH = 16384
_S = 400.0

_NC = 2
_NS = 16
_NW = _NC * _NS
_LANES = 16

_B_PER_W = _BATCH // _NW
_CHUNK = 128
_NCHUNK = _B_PER_W // _CHUNK
_VPR = _SIZE // _LANES


def _sc_body(t_hbm, table_hbm, out_hbm, idx_v, rows_v, outb_v, gsem, osem):
    c = lax.axis_index("c")
    s = lax.axis_index("s")
    wid = s * _NC + c
    base = wid * _B_PER_W

    pltpu.sync_copy(t_hbm.at[pl.ds(base, _B_PER_W)], idx_v)

    gathers = [
        pltpu.async_copy(
            table_hbm.at[idx_v.at[pl.ds(j * _CHUNK, _CHUNK)]],
            rows_v.at[pl.ds(j * _CHUNK, _CHUNK)],
            gsem.at[j],
        )
        for j in range(_NCHUNK)
    ]

    outs = []
    for j in range(_NCHUNK):
        gathers[j].wait()
        if j >= 2:
            outs[j - 2].wait()

        @plsc.parallel_loop(0, _CHUNK, 1, unroll=1)
        def row_body(r, j=j):
            for k in range(_VPR):
                x = rows_v[j * _CHUNK + r, pl.ds(k * _LANES, _LANES)]
                z = jnp.exp(x * (-_S))
                outb_v[j % 2, r, pl.ds(k * _LANES, _LANES)] = 1.0 / (1.0 + z)

        outs.append(
            pltpu.async_copy(
                outb_v.at[j % 2],
                out_hbm.at[pl.ds(base + j * _CHUNK, _CHUNK)],
                osem.at[j % 2],
            )
        )
    outs[-2].wait()
    outs[-1].wait()


@jax.jit
def _hatmask(t, table):
    mesh = plsc.VectorSubcoreMesh(core_axis_name="c", subcore_axis_name="s")
    return pl.kernel(
        _sc_body,
        out_type=jax.ShapeDtypeStruct((_BATCH, _SIZE), jnp.float32),
        mesh=mesh,
        scratch_types=[
            pltpu.VMEM((_B_PER_W,), jnp.int32),
            pltpu.VMEM((_B_PER_W, _SIZE), jnp.float32),
            pltpu.VMEM((2, _CHUNK, _SIZE), jnp.float32),
            pltpu.SemaphoreType.DMA((_NCHUNK,)),
            pltpu.SemaphoreType.DMA((2,)),
        ],
    )(t, table)


def kernel(t, table):
    return _hatmask(t.astype(jnp.int32), table)

# --- scband reference (transcript-rebuilt; emitter-appended) ---
"""Pipeline reference for scband-hatmask-30666066493837 (READ-ONLY COPY).

The authoritative reference and input builder live on the scoring server;
editing this copy changes nothing except your own understanding.
"""

import jax, jax.numpy as jnp
import numpy as np

NB_TASKS = 100000
SIZE = 128
BATCH = 16384
DEFAULT_S = 400.0
USAGE = 0.5


def setup_inputs(seed: int = 0) -> dict:
    key = jax.random.key(seed)
    k1, k2 = jax.random.split(key)
    t = jax.random.randint(k1, (BATCH,), 0, NB_TASKS)
    # nn.Embedding.reset_parameters -> N(0, 1); then += log(usage/(1-usage)) bias
    bias = float(np.log(USAGE / (1.0 - USAGE)))  # = 0.0 for usage=0.5
    table = jax.random.normal(k2, (NB_TASKS, SIZE), dtype=jnp.float32) + bias
    return {"t": t, "table": table}


def reference(t, table):
    # h = task_embedding(t); mask = sigmoid(s * h)
    h = jnp.take(table, t, axis=0)
    mask = jax.nn.sigmoid(DEFAULT_S * h)
    return mask

if __name__ == "__main__":
    import jax
    _d = setup_inputs()
    print(jax.jit(kernel)(*tuple(_d.values())))

</pallas_src>

<mosaic_0001>
#map = affine_map<(d0, d1) -> (0)>
#map1 = affine_map<(d0, d1) -> (0, 0)>
module attributes {stable_mosaic.version = 14 : i64} {
  func.func @_sc_body(%arg0: i32, %arg1: i32, %arg2: memref<16384xi32, #tpu.memory_space<hbm>>, %arg3: memref<100000x128xf32, #tpu.memory_space<hbm>>, %arg4: memref<16384x128xf32, #tpu.memory_space<hbm>>, %arg5: memref<512xi32, #tpu.memory_space<vmem>>, %arg6: memref<512x128xf32, #tpu.memory_space<vmem>>, %arg7: memref<2x128x128xf32, #tpu.memory_space<vmem>>, %arg8: memref<4x!tpu.dma_semaphore, #tpu.memory_space<semaphore_mem>>, %arg9: memref<2x!tpu.dma_semaphore, #tpu.memory_space<semaphore_mem>>) attributes {dimension_semantics = [#tpu.dimension_semantics<core_parallel>, #tpu.dimension_semantics<subcore_parallel>], iteration_bounds = array<i64: 2, 16>, scalar_prefetch = 0 : i64, scratch_operands = 5 : i64, tpu.core_type = #tpu.core_type<sc_vector_subcore>, window_params = [{transform_indices = #map}, {transform_indices = #map1}, {transform_indices = #map1}]} {
    %mul3A = arith.constant 2 : i32
    %mul3A_0 = arith.muli %arg1, %mul3A : i32
    %add3A = arith.addi %mul3A_0, %arg0 : i32
    %mul3A_1 = arith.constant 512 : i32
    %mul3A_2 = arith.muli %add3A, %mul3A_1 : i32
    "tpu.region"() ({
      %run_scoped3A = tpu.sem_alloc : memref<!tpu.dma_semaphore, #tpu.memory_space<semaphore_mem>>
      %dma_start3A_236 = tpu.memref_slice %arg2[%mul3A_2] : memref<16384xi32, #tpu.memory_space<hbm>> -> memref<512xi32, #tpu.memory_space<hbm>>
      %dma_start3A_237 = tpu.memref_slice %arg2[%mul3A_2] : memref<16384xi32, #tpu.memory_space<hbm>> -> memref<512xi32, #tpu.memory_space<hbm>>
      tpu.enqueue_dma source(%dma_start3A_237 : memref<512xi32, #tpu.memory_space<hbm>>) target(%arg5 : memref<512xi32, #tpu.memory_space<vmem>>) target_semaphore(%run_scoped3A : memref<!tpu.dma_semaphore, #tpu.memory_space<semaphore_mem>>)
      %dma_wait3A_238 = tpu.memref_slice %arg2[%mul3A_2] : memref<16384xi32, #tpu.memory_space<hbm>> -> memref<512xi32, #tpu.memory_space<hbm>>
      %dma_wait3A_239 = tpu.memref_slice %arg2[%mul3A_2] : memref<16384xi32, #tpu.memory_space<hbm>> -> memref<512xi32, #tpu.memory_space<hbm>>
      tpu.wait_dma2 semaphore(%run_scoped3A : memref<!tpu.dma_semaphore, #tpu.memory_space<semaphore_mem>>) src(%dma_wait3A_239 : memref<512xi32, #tpu.memory_space<hbm>>) dst(%arg5 : memref<512xi32, #tpu.memory_space<vmem>>)
      tpu.yield
    }) : () -> ()
    %dma_start3A = arith.constant 0 : i32
    %dma_start3A_3 = arith.constant 0 : i32
    %dma_start3A_4 = arith.constant 0 : i32
    %dma_start3A_5 = tpu.memref_slice %arg6[%dma_start3A_3, %dma_start3A_4] : memref<512x128xf32, #tpu.memory_space<vmem>> -> memref<128x128xf32, #tpu.memory_space<vmem>>
    %dma_start3A_6 = arith.constant 0 : i32
    %dma_start3A_7 = tpu.memref_slice %arg5[%dma_start3A_6] : memref<512xi32, #tpu.memory_space<vmem>> -> memref<128xi32, #tpu.memory_space<vmem>>
    %dma_start3A_8 = arith.constant 0 : i32
    %dma_start3A_9 = arith.constant 0 : i32
    %dma_start3A_10 = tpu.memref_slice %arg3[%dma_start3A_8, %dma_start3A_9] : memref<100000x128xf32, #tpu.memory_space<hbm>> -> memref<100000x128xf32, #tpu.memory_space<hbm>>
    %dma_start3A_11 = tpu.memref_slice %arg8[%dma_start3A] : memref<4x!tpu.dma_semaphore, #tpu.memory_space<semaphore_mem>> -> memref<1x!tpu.dma_semaphore, #tpu.memory_space<semaphore_mem>>
    %dma_start3A_12 = tpu.memref_squeeze %dma_start3A_11 : memref<1x!tpu.dma_semaphore, #tpu.memory_space<semaphore_mem>> -> memref<!tpu.dma_semaphore, #tpu.memory_space<semaphore_mem>>
    tpu.enqueue_indirect_dma source(%dma_start3A_10 : memref<100000x128xf32, #tpu.memory_space<hbm>>) target(%dma_start3A_5 : memref<128x128xf32, #tpu.memory_space<vmem>>) offsets(%dma_start3A_7 : memref<128xi32, #tpu.memory_space<vmem>>) semaphore(%dma_start3A_12 : memref<!tpu.dma_semaphore, #tpu.memory_space<semaphore_mem>>)
    %dma_start3A_13 = arith.constant 1 : i32
    %dma_start3A_14 = arith.constant 128 : i32
    %dma_start3A_15 = arith.constant 0 : i32
    %dma_start3A_16 = tpu.memref_slice %arg6[%dma_start3A_14, %dma_start3A_15] : memref<512x128xf32, #tpu.memory_space<vmem>> -> memref<128x128xf32, #tpu.memory_space<vmem>>
    %dma_start3A_17 = arith.constant 128 : i32
    %dma_start3A_18 = tpu.memref_slice %arg5[%dma_start3A_17] : memref<512xi32, #tpu.memory_space<vmem>> -> memref<128xi32, #tpu.memory_space<vmem>>
    %dma_start3A_19 = arith.constant 0 : i32
    %dma_start3A_20 = arith.constant 0 : i32
    %dma_start3A_21 = tpu.memref_slice %arg3[%dma_start3A_19, %dma_start3A_20] : memref<100000x128xf32, #tpu.memory_space<hbm>> -> memref<100000x128xf32, #tpu.memory_space<hbm>>
    %dma_start3A_22 = tpu.memref_slice %arg8[%dma_start3A_13] : memref<4x!tpu.dma_semaphore, #tpu.memory_space<semaphore_mem>> -> memref<1x!tpu.dma_semaphore, #tpu.memory_space<semaphore_mem>>
    %dma_start3A_23 = tpu.memref_squeeze %dma_start3A_22 : memref<1x!tpu.dma_semaphore, #tpu.memory_space<semaphore_mem>> -> memref<!tpu.dma_semaphore, #tpu.memory_space<semaphore_mem>>
    tpu.enqueue_indirect_dma source(%dma_start3A_21 : memref<100000x128xf32, #tpu.memory_space<hbm>>) target(%dma_start3A_16 : memref<128x128xf32, #tpu.memory_space<vmem>>) offsets(%dma_start3A_18 : memref<128xi32, #tpu.memory_space<vmem>>) semaphore(%dma_start3A_23 : memref<!tpu.dma_semaphore, #tpu.memory_space<semaphore_mem>>)
    %dma_start3A_24 = arith.constant 2 : i32
    %dma_start3A_25 = arith.constant 256 : i32
    %dma_start3A_26 = arith.constant 0 : i32
    %dma_start3A_27 = tpu.memref_slice %arg6[%dma_start3A_25, %dma_start3A_26] : memref<512x128xf32, #tpu.memory_space<vmem>> -> memref<128x128xf32, #tpu.memory_space<vmem>>
    %dma_start3A_28 = arith.constant 256 : i32
    %dma_start3A_29 = tpu.memref_slice %arg5[%dma_start3A_28] : memref<512xi32, #tpu.memory_space<vmem>> -> memref<128xi32, #tpu.memory_space<vmem>>
    %dma_start3A_30 = arith.constant 0 : i32
    %dma_start3A_31 = arith.constant 0 : i32
    %dma_start3A_32 = tpu.memref_slice %arg3[%dma_start3A_30, %dma_start3A_31] : memref<100000x128xf32, #tpu.memory_space<hbm>> -> memref<100000x128xf32, #tpu.memory_space<hbm>>
    %dma_start3A_33 = tpu.memref_slice %arg8[%dma_start3A_24] : memref<4x!tpu.dma_semaphore, #tpu.memory_space<semaphore_mem>> -> memref<1x!tpu.dma_semaphore, #tpu.memory_space<semaphore_mem>>
    %dma_start3A_34 = tpu.memref_squeeze %dma_start3A_33 : memref<1x!tpu.dma_semaphore, #tpu.memory_space<semaphore_mem>> -> memref<!tpu.dma_semaphore, #tpu.memory_space<semaphore_mem>>
    tpu.enqueue_indirect_dma source(%dma_start3A_32 : memref<100000x128xf32, #tpu.memory_space<hbm>>) target(%dma_start3A_27 : memref<128x128xf32, #tpu.memory_space<vmem>>) offsets(%dma_start3A_29 : memref<128xi32, #tpu.memory_space<vmem>>) semaphore(%dma_start3A_34 : memref<!tpu.dma_semaphore, #tpu.memory_space<semaphore_mem>>)
    %dma_start3A_35 = arith.constant 3 : i32
    %dma_start3A_36 = arith.constant 384 : i32
    %dma_start3A_37 = arith.constant 0 : i32
    %dma_start3A_38 = tpu.memref_slice %arg6[%dma_start3A_36, %dma_start3A_37] : memref<512x128xf32, #tpu.memory_space<vmem>> -> memref<128x128xf32, #tpu.memory_space<vmem>>
    %dma_start3A_39 = arith.constant 384 : i32
    %dma_start3A_40 = tpu.memref_slice %arg5[%dma_start3A_39] : memref<512xi32, #tpu.memory_space<vmem>> -> memref<128xi32, #tpu.memory_space<vmem>>
    %dma_start3A_41 = arith.constant 0 : i32
    %dma_start3A_42 = arith.constant 0 : i32
    %dma_start3A_43 = tpu.memref_slice %arg3[%dma_start3A_41, %dma_start3A_42] : memref<100000x128xf32, #tpu.memory_space<hbm>> -> memref<100000x128xf32, #tpu.memory_space<hbm>>
    %dma_start3A_44 = tpu.memref_slice %arg8[%dma_start3A_35] : memref<4x!tpu.dma_semaphore, #tpu.memory_space<semaphore_mem>> -> memref<1x!tpu.dma_semaphore, #tpu.memory_space<semaphore_mem>>
    %dma_start3A_45 = tpu.memref_squeeze %dma_start3A_44 : memref<1x!tpu.dma_semaphore, #tpu.memory_space<semaphore_mem>> -> memref<!tpu.dma_semaphore, #tpu.memory_space<semaphore_mem>>
    tpu.enqueue_indirect_dma source(%dma_start3A_43 : memref<100000x128xf32, #tpu.memory_space<hbm>>) target(%dma_start3A_38 : memref<128x128xf32, #tpu.memory_space<vmem>>) offsets(%dma_start3A_40 : memref<128xi32, #tpu.memory_space<vmem>>) semaphore(%dma_start3A_45 : memref<!tpu.dma_semaphore, #tpu.memory_space<semaphore_mem>>)
    %dma_wait3A = arith.constant 0 : i32
    %dma_wait3A_46 = arith.constant 0 : i32
    %dma_wait3A_47 = arith.constant 0 : i32
    %dma_wait3A_48 = tpu.memref_slice %arg6[%dma_wait3A_46, %dma_wait3A_47] : memref<512x128xf32, #tpu.memory_space<vmem>> -> memref<128x128xf32, #tpu.memory_space<vmem>>
    %dma_wait3A_49 = arith.constant 0 : i32
    %dma_wait3A_50 = tpu.memref_slice %arg5[%dma_wait3A_49] : memref<512xi32, #tpu.memory_space<vmem>> -> memref<128xi32, #tpu.memory_space<vmem>>
    %dma_wait3A_51 = arith.constant 0 : i32
    %dma_wait3A_52 = arith.constant 0 : i32
    %dma_wait3A_53 = tpu.memref_slice %arg3[%dma_wait3A_51, %dma_wait3A_52] : memref<100000x128xf32, #tpu.memory_space<hbm>> -> memref<100000x128xf32, #tpu.memory_space<hbm>>
    %dma_wait3A_54 = tpu.memref_slice %arg8[%dma_wait3A] : memref<4x!tpu.dma_semaphore, #tpu.memory_space<semaphore_mem>> -> memref<1x!tpu.dma_semaphore, #tpu.memory_space<semaphore_mem>>
    %dma_wait3A_55 = tpu.memref_squeeze %dma_wait3A_54 : memref<1x!tpu.dma_semaphore, #tpu.memory_space<semaphore_mem>> -> memref<!tpu.dma_semaphore, #tpu.memory_space<semaphore_mem>>
    tpu.wait_indirect_dma semaphore(%dma_wait3A_55 : memref<!tpu.dma_semaphore, #tpu.memory_space<semaphore_mem>>) src(%dma_wait3A_53 : memref<100000x128xf32, #tpu.memory_space<hbm>>) dst(%dma_wait3A_48 : memref<128x128xf32, #tpu.memory_space<vmem>>)
    %parallel_loop3A = arith.constant 0 : i32
    %parallel_loop3A_56 = arith.constant 128 : i32
    %parallel_loop3A_57 = arith.constant 1 : i32
    scf.for %parallel_loop3A_236 = %parallel_loop3A to %parallel_loop3A_56 step %parallel_loop3A_57  : i32 {
      %parallel_loop3A_237 = arith.constant 0 : i32
      %parallel_loop3A_238 = arith.addi %parallel_loop3A_237, %parallel_loop3A_236 : i32
      %parallel_loop3A_239 = arith.index_cast %parallel_loop3A_238 : i32 to index
      %parallel_loop3A_240 = arith.constant 0 : index
      %parallel_loop3A_241 = tpu.vector_load %arg6[%parallel_loop3A_239, %parallel_loop3A_240] {strides = array<i32>} : memref<512x128xf32, #tpu.memory_space<vmem>>, vector<1x16xf32>,
      %parallel_loop3A_242 = vector.shape_cast %parallel_loop3A_241 : vector<1x16xf32> to vector<16xf32>
      %parallel_loop3A_243 = arith.constant -4.000000e+02 : f32
      %parallel_loop3A_244 = vector.broadcast %parallel_loop3A_243 : f32 to vector<16xf32>
      %parallel_loop3A_245 = arith.mulf %parallel_loop3A_242, %parallel_loop3A_244 : vector<16xf32>
      %parallel_loop3A_246 = math.exp %parallel_loop3A_245 : vector<16xf32>
      %parallel_loop3A_247 = arith.constant 1.000000e+00 : f32
      %parallel_loop3A_248 = vector.broadcast %parallel_loop3A_247 : f32 to vector<16xf32>
      %parallel_loop3A_249 = arith.addf %parallel_loop3A_248, %parallel_loop3A_246 : vector<16xf32>
      %parallel_loop3A_250 = arith.constant 1.000000e+00 : f32
      %parallel_loop3A_251 = vector.broadcast %parallel_loop3A_250 : f32 to vector<16xf32>
      %parallel_loop3A_252 = arith.divf %parallel_loop3A_251, %parallel_loop3A_249 : vector<16xf32>
      %parallel_loop3A_253 = arith.constant 0 : i32
      %parallel_loop3A_254 = arith.index_cast %parallel_loop3A_253 : i32 to index
      %parallel_loop3A_255 = arith.index_cast %parallel_loop3A_236 : i32 to index
      %parallel_loop3A_256 = arith.constant 0 : index
      %parallel_loop3A_257 = tpu.vector_load %arg7[%parallel_loop3A_254, %parallel_loop3A_255, %parallel_loop3A_256] {strides = array<i32>} : memref<2x128x128xf32, #tpu.memory_space<vmem>>, vector<1x1x16xf32>,
      %parallel_loop3A_258 = vector.shape_cast %parallel_loop3A_257 : vector<1x1x16xf32> to vector<16xf32>
      %parallel_loop3A_259 = vector.shape_cast %parallel_loop3A_252 : vector<16xf32> to vector<1x1x16xf32>
      tpu.vector_store %arg7[%parallel_loop3A_254, %parallel_loop3A_255, %parallel_loop3A_256], %parallel_loop3A_259 {strides = array<i32>} : memref<2x128x128xf32, #tpu.memory_space<vmem>>, vector<1x1x16xf32>,
      %parallel_loop3A_260 = arith.constant 0 : i32
      %parallel_loop3A_261 = arith.addi %parallel_loop3A_260, %parallel_loop3A_236 : i32
      %parallel_loop3A_262 = arith.index_cast %parallel_loop3A_261 : i32 to index
      %parallel_loop3A_263 = arith.constant 16 : index
      %parallel_loop3A_264 = tpu.vector_load %arg6[%parallel_loop3A_262, %parallel_loop3A_263] {strides = array<i32>} : memref<512x128xf32, #tpu.memory_space<vmem>>, vector<1x16xf32>,
      %parallel_loop3A_265 = vector.shape_cast %parallel_loop3A_264 : vector<1x16xf32> to vector<16xf32>
      %parallel_loop3A_266 = arith.constant -4.000000e+02 : f32
      %parallel_loop3A_267 = vector.broadcast %parallel_loop3A_266 : f32 to vector<16xf32>
      %parallel_loop3A_268 = arith.mulf %parallel_loop3A_265, %parallel_loop3A_267 : vector<16xf32>
      %parallel_loop3A_269 = math.exp %parallel_loop3A_268 : vector<16xf32>
      %parallel_loop3A_270 = arith.constant 1.000000e+00 : f32
      %parallel_loop3A_271 = vector.broadcast %parallel_loop3A_270 : f32 to vector<16xf32>
      %parallel_loop3A_272 = arith.addf %parallel_loop3A_271, %parallel_loop3A_269 : vector<16xf32>
      %parallel_loop3A_273 = arith.constant 1.000000e+00 : f32
      %parallel_loop3A_274 = vector.broadcast %parallel_loop3A_273 : f32 to vector<16xf32>
      %parallel_loop3A_275 = arith.divf %parallel_loop3A_274, %parallel_loop3A_272 : vector<16xf32>
      %parallel_loop3A_276 = arith.constant 0 : i32
      %parallel_loop3A_277 = arith.index_cast %parallel_loop3A_276 : i32 to index
      %parallel_loop3A_278 = arith.index_cast %parallel_loop3A_236 : i32 to index
      %parallel_loop3A_279 = arith.constant 16 : index
      %parallel_loop3A_280 = tpu.vector_load %arg7[%parallel_loop3A_277, %parallel_loop3A_278, %parallel_loop3A_279] {strides = array<i32>} : memref<2x128x128xf32, #tpu.memory_space<vmem>>, vector<1x1x16xf32>,
      %parallel_loop3A_281 = vector.shape_cast %parallel_loop3A_280 : vector<1x1x16xf32> to vector<16xf32>
      %parallel_loop3A_282 = vector.shape_cast %parallel_loop3A_275 : vector<16xf32> to vector<1x1x16xf32>
      tpu.vector_store %arg7[%parallel_loop3A_277, %parallel_loop3A_278, %parallel_loop3A_279], %parallel_loop3A_282 {strides = array<i32>} : memref<2x128x128xf32, #tpu.memory_space<vmem>>, vector<1x1x16xf32>,
      %parallel_loop3A_283 = arith.constant 0 : i32
      %parallel_loop3A_284 = arith.addi %parallel_loop3A_283, %parallel_loop3A_236 : i32
      %parallel_loop3A_285 = arith.index_cast %parallel_loop3A_284 : i32 to index
      %parallel_loop3A_286 = arith.constant 32 : index
      %parallel_loop3A_287 = tpu.vector_load %arg6[%parallel_loop3A_285, %parallel_loop3A_286] {strides = array<i32>} : memref<512x128xf32, #tpu.memory_space<vmem>>, vector<1x16xf32>,
      %parallel_loop3A_288 = vector.shape_cast %parallel_loop3A_287 : vector<1x16xf32> to vector<16xf32>
      %parallel_loop3A_289 = arith.constant -4.000000e+02 : f32
      %parallel_loop3A_290 = vector.broadcast %parallel_loop3A_289 : f32 to vector<16xf32>
      %parallel_loop3A_291 = arith.mulf %parallel_loop3A_288, %parallel_loop3A_290 : vector<16xf32>
      %parallel_loop3A_292 = math.exp %parallel_loop3A_291 : vector<16xf32>
      %parallel_loop3A_293 = arith.constant 1.000000e+00 : f32
      %parallel_loop3A_294 = vector.broadcast %parallel_loop3A_293 : f32 to vector<16xf32>
      %parallel_loop3A_295 = arith.addf %parallel_loop3A_294, %parallel_loop3A_292 : vector<16xf32>
      %parallel_loop3A_296 = arith.constant 1.000000e+00 : f32
      %parallel_loop3A_297 = vector.broadcast %parallel_loop3A_296 : f32 to vector<16xf32>
      %parallel_loop3A_298 = arith.divf %parallel_loop3A_297, %parallel_loop3A_295 : vector<16xf32>
      %parallel_loop3A_299 = arith.constant 0 : i32
      %parallel_loop3A_300 = arith.index_cast %parallel_loop3A_299 : i32 to index
      %parallel_loop3A_301 = arith.index_cast %parallel_loop3A_236 : i32 to index
      %parallel_loop3A_302 = arith.constant 32 : index
      %parallel_loop3A_303 = tpu.vector_load %arg7[%parallel_loop3A_300, %parallel_loop3A_301, %parallel_loop3A_302] {strides = array<i32>} : memref<2x128x128xf32, #tpu.memory_space<vmem>>, vector<1x1x16xf32>,
      %parallel_loop3A_304 = vector.shape_cast %parallel_loop3A_303 : vector<1x1x16xf32> to vector<16xf32>
      %parallel_loop3A_305 = vector.shape_cast %parallel_loop3A_298 : vector<16xf32> to vector<1x1x16xf32>
      tpu.vector_store %arg7[%parallel_loop3A_300, %parallel_loop3A_301, %parallel_loop3A_302], %parallel_loop3A_305 {strides = array<i32>} : memref<2x128x128xf32, #tpu.memory_space<vmem>>, vector<1x1x16xf32>,
      %parallel_loop3A_306 = arith.constant 0 : i32
      %parallel_loop3A_307 = arith.addi %parallel_loop3A_306, %parallel_loop3A_236 : i32
      %parallel_loop3A_308 = arith.index_cast %parallel_loop3A_307 : i32 to index
      %parallel_loop3A_309 = arith.constant 48 : index
      %parallel_loop3A_310 = tpu.vector_load %arg6[%parallel_loop3A_308, %parallel_loop3A_309] {strides = array<i32>} : memref<512x128xf32, #tpu.memory_space<vmem>>, vector<1x16xf32>,
      %parallel_loop3A_311 = vector.shape_cast %parallel_loop3A_310 : vector<1x16xf32> to vector<16xf32>
      %parallel_loop3A_312 = arith.constant -4.000000e+02 : f32
      %parallel_loop3A_313 = vector.broadcast %parallel_loop3A_312 : f32 to vector<16xf32>
      %parallel_loop3A_314 = arith.mulf %parallel_loop3A_311, %parallel_loop3A_313 : vector<16xf32>
      %parallel_loop3A_315 = math.exp %parallel_loop3A_314 : vector<16xf32>
      %parallel_loop3A_316 = arith.constant 1.000000e+00 : f32
      %parallel_loop3A_317 = vector.broadcast %parallel_loop3A_316 : f32 to vector<16xf32>
      %parallel_loop3A_318 = arith.addf %parallel_loop3A_317, %parallel_loop3A_315 : vector<16xf32>
      %parallel_loop3A_319 = arith.constant 1.000000e+00 : f32
      %parallel_loop3A_320 = vector.broadcast %parallel_loop3A_319 : f32 to vector<16xf32>
      %parallel_loop3A_321 = arith.divf %parallel_loop3A_320, %parallel_loop3A_318 : vector<16xf32>
      %parallel_loop3A_322 = arith.constant 0 : i32
      %parallel_loop3A_323 = arith.index_cast %parallel_loop3A_322 : i32 to index
      %parallel_loop3A_324 = arith.index_cast %parallel_loop3A_236 : i32 to index
      %parallel_loop3A_325 = arith.constant 48 : index
      %parallel_loop3A_326 = tpu.vector_load %arg7[%parallel_loop3A_323, %parallel_loop3A_324, %parallel_loop3A_325] {strides = array<i32>} : memref<2x128x128xf32, #tpu.memory_space<vmem>>, vector<1x1x16xf32>,
      %parallel_loop3A_327 = vector.shape_cast %parallel_loop3A_326 : vector<1x1x16xf32> to vector<16xf32>
      %parallel_loop3A_328 = vector.shape_cast %parallel_loop3A_321 : vector<16xf32> to vector<1x1x16xf32>
      tpu.vector_store %arg7[%parallel_loop3A_323, %parallel_loop3A_324, %parallel_loop3A_325], %parallel_loop3A_328 {strides = array<i32>} : memref<2x128x128xf32, #tpu.memory_space<vmem>>, vector<1x1x16xf32>,
      %parallel_loop3A_329 = arith.constant 0 : i32
      %parallel_loop3A_330 = arith.addi %parallel_loop3A_329, %parallel_loop3A_236 : i32
      %parallel_loop3A_331 = arith.index_cast %parallel_loop3A_330 : i32 to index
      %parallel_loop3A_332 = arith.constant 64 : index
      %parallel_loop3A_333 = tpu.vector_load %arg6[%parallel_loop3A_331, %parallel_loop3A_332] {strides = array<i32>} : memref<512x128xf32, #tpu.memory_space<vmem>>, vector<1x16xf32>,
      %parallel_loop3A_334 = vector.shape_cast %parallel_loop3A_333 : vector<1x16xf32> to vector<16xf32>
      %parallel_loop3A_335 = arith.constant -4.000000e+02 : f32
      %parallel_loop3A_336 = vector.broadcast %parallel_loop3A_335 : f32 to vector<16xf32>
      %parallel_loop3A_337 = arith.mulf %parallel_loop3A_334, %parallel_loop3A_336 : vector<16xf32>
      %parallel_loop3A_338 = math.exp %parallel_loop3A_337 : vector<16xf32>
      %parallel_loop3A_339 = arith.constant 1.000000e+00 : f32
      %parallel_loop3A_340 = vector.broadcast %parallel_loop3A_339 : f32 to vector<16xf32>
      %parallel_loop3A_341 = arith.addf %parallel_loop3A_340, %parallel_loop3A_338 : vector<16xf32>
      %parallel_loop3A_342 = arith.constant 1.000000e+00 : f32
      %parallel_loop3A_343 = vector.broadcast %parallel_loop3A_342 : f32 to vector<16xf32>
      %parallel_loop3A_344 = arith.divf %parallel_loop3A_343, %parallel_loop3A_341 : vector<16xf32>
      %parallel_loop3A_345 = arith.constant 0 : i32
      %parallel_loop3A_346 = arith.index_cast %parallel_loop3A_345 : i32 to index
      %parallel_loop3A_347 = arith.index_cast %parallel_loop3A_236 : i32 to index
      %parallel_loop3A_348 = arith.constant 64 : index
      %parallel_loop3A_349 = tpu.vector_load %arg7[%parallel_loop3A_346, %parallel_loop3A_347, %parallel_loop3A_348] {strides = array<i32>} : memref<2x128x128xf32, #tpu.memory_space<vmem>>, vector<1x1x16xf32>,
      %parallel_loop3A_350 = vector.shape_cast %parallel_loop3A_349 : vector<1x1x16xf32> to vector<16xf32>
      %parallel_loop3A_351 = vector.shape_cast %parallel_loop3A_344 : vector<16xf32> to vector<1x1x16xf32>
      tpu.vector_store %arg7[%parallel_loop3A_346, %parallel_loop3A_347, %parallel_loop3A_348], %parallel_loop3A_351 {strides = array<i32>} : memref<2x128x128xf32, #tpu.memory_space<vmem>>, vector<1x1x16xf32>,
      %parallel_loop3A_352 = arith.constant 0 : i32
      %parallel_loop3A_353 = arith.addi %parallel_loop3A_352, %parallel_loop3A_236 : i32
      %parallel_loop3A_354 = arith.index_cast %parallel_loop3A_353 : i32 to index
      %parallel_loop3A_355 = arith.constant 80 : index
      %parallel_loop3A_356 = tpu.vector_load %arg6[%parallel_loop3A_354, %parallel_loop3A_355] {strides = array<i32>} : memref<512x128xf32, #tpu.memory_space<vmem>>, vector<1x16xf32>,
      %parallel_loop3A_357 = vector.shape_cast %parallel_loop3A_356 : vector<1x16xf32> to vector<16xf32>
      %parallel_loop3A_358 = arith.constant -4.000000e+02 : f32
      %parallel_loop3A_359 = vector.broadcast %parallel_loop3A_358 : f32 to vector<16xf32>
      %parallel_loop3A_360 = arith.mulf %parallel_loop3A_357, %parallel_loop3A_359 : vector<16xf32>
      %parallel_loop3A_361 = math.exp %parallel_loop3A_360 : vector<16xf32>
      %parallel_loop3A_362 = arith.constant 1.000000e+00 : f32
      %parallel_loop3A_363 = vector.broadcast %parallel_loop3A_362 : f32 to vector<16xf32>
      %parallel_loop3A_364 = arith.addf %parallel_loop3A_363, %parallel_loop3A_361 : vector<16xf32>
      %parallel_loop3A_365 = arith.constant 1.000000e+00 : f32
      %parallel_loop3A_366 = vector.broadcast %parallel_loop3A_365 : f32 to vector<16xf32>
      %parallel_loop3A_367 = arith.divf %parallel_loop3A_366, %parallel_loop3A_364 : vector<16xf32>
      %parallel_loop3A_368 = arith.constant 0 : i32
      %parallel_loop3A_369 = arith.index_cast %parallel_loop3A_368 : i32 to index
      %parallel_loop3A_370 = arith.index_cast %parallel_loop3A_236 : i32 to index
      %parallel_loop3A_371 = arith.constant 80 : index
      %parallel_loop3A_372 = tpu.vector_load %arg7[%parallel_loop3A_369, %parallel_loop3A_370, %parallel_loop3A_371] {strides = array<i32>} : memref<2x128x128xf32, #tpu.memory_space<vmem>>, vector<1x1x16xf32>,
      %parallel_loop3A_373 = vector.shape_cast %parallel_loop3A_372 : vector<1x1x16xf32> to vector<16xf32>
      %parallel_loop3A_374 = vector.shape_cast %parallel_loop3A_367 : vector<16xf32> to vector<1x1x16xf32>
      tpu.vector_store %arg7[%parallel_loop3A_369, %parallel_loop3A_370, %parallel_loop3A_371], %parallel_loop3A_374 {strides = array<i32>} : memref<2x128x128xf32, #tpu.memory_space<vmem>>, vector<1x1x16xf32>,
      %parallel_loop3A_375 = arith.constant 0 : i32
      %parallel_loop3A_376 = arith.addi %parallel_loop3A_375, %parallel_loop3A_236 : i32
      %parallel_loop3A_377 = arith.index_cast %parallel_loop3A_376 : i32 to index
      %parallel_loop3A_378 = arith.constant 96 : index
      %parallel_loop3A_379 = tpu.vector_load %arg6[%parallel_loop3A_377, %parallel_loop3A_378] {strides = array<i32>} : memref<512x128xf32, #tpu.memory_space<vmem>>, vector<1x16xf32>,
      %parallel_loop3A_380 = vector.shape_cast %parallel_loop3A_379 : vector<1x16xf32> to vector<16xf32>
      %parallel_loop3A_381 = arith.constant -4.000000e+02 : f32
      %parallel_loop3A_382 = vector.broadcast %parallel_loop3A_381 : f32 to vector<16xf32>
      %parallel_loop3A_383 = arith.mulf %parallel_loop3A_380, %parallel_loop3A_382 : vector<16xf32>
      %parallel_loop3A_384 = math.exp %parallel_loop3A_383 : vector<16xf32>
      %parallel_loop3A_385 = arith.constant 1.000000e+00 : f32
      %parallel_loop3A_386 = vector.broadcast %parallel_loop3A_385 : f32 to vector<16xf32>
      %parallel_loop3A_387 = arith.addf %parallel_loop3A_386, %parallel_loop3A_384 : vector<16xf32>
      %parallel_loop3A_388 = arith.constant 1.000000e+00 : f32
      %parallel_loop3A_389 = vector.broadcast %parallel_loop3A_388 : f32 to vector<16xf32>
      %parallel_loop3A_390 = arith.divf %parallel_loop3A_389, %parallel_loop3A_387 : vector<16xf32>
      %parallel_loop3A_391 = arith.constant 0 : i32
      %parallel_loop3A_392 = arith.index_cast %parallel_loop3A_391 : i32 to index
      %parallel_loop3A_393 = arith.index_cast %parallel_loop3A_236 : i32 to index
      %parallel_loop3A_394 = arith.constant 96 : index
      %parallel_loop3A_395 = tpu.vector_load %arg7[%parallel_loop3A_392, %parallel_loop3A_393, %parallel_loop3A_394] {strides = array<i32>} : memref<2x128x128xf32, #tpu.memory_space<vmem>>, vector<1x1x16xf32>,
      %parallel_loop3A_396 = vector.shape_cast %parallel_loop3A_395 : vector<1x1x16xf32> to vector<16xf32>
      %parallel_loop3A_397 = vector.shape_cast %parallel_loop3A_390 : vector<16xf32> to vector<1x1x16xf32>
      tpu.vector_store %arg7[%parallel_loop3A_392, %parallel_loop3A_393, %parallel_loop3A_394], %parallel_loop3A_397 {strides = array<i32>} : memref<2x128x128xf32, #tpu.memory_space<vmem>>, vector<1x1x16xf32>,
      %parallel_loop3A_398 = arith.constant 0 : i32
      %parallel_loop3A_399 = arith.addi %parallel_loop3A_398, %parallel_loop3A_236 : i32
      %parallel_loop3A_400 = arith.index_cast %parallel_loop3A_399 : i32 to index
      %parallel_loop3A_401 = arith.constant 112 : index
      %parallel_loop3A_402 = tpu.vector_load %arg6[%parallel_loop3A_400, %parallel_loop3A_401] {strides = array<i32>} : memref<512x128xf32, #tpu.memory_space<vmem>>, vector<1x16xf32>,
      %parallel_loop3A_403 = vector.shape_cast %parallel_loop3A_402 : vector<1x16xf32> to vector<16xf32>
      %parallel_loop3A_404 = arith.constant -4.000000e+02 : f32
      %parallel_loop3A_405 = vector.broadcast %parallel_loop3A_404 : f32 to vector<16xf32>
      %parallel_loop3A_406 = arith.mulf %parallel_loop3A_403, %parallel_loop3A_405 : vector<16xf32>
      %parallel_loop3A_407 = math.exp %parallel_loop3A_406 : vector<16xf32>
      %parallel_loop3A_408 = arith.constant 1.000000e+00 : f32
      %parallel_loop3A_409 = vector.broadcast %parallel_loop3A_408 : f32 to vector<16xf32>
      %parallel_loop3A_410 = arith.addf %parallel_loop3A_409, %parallel_loop3A_407 : vector<16xf32>
      %parallel_loop3A_411 = arith.constant 1.000000e+00 : f32
      %parallel_loop3A_412 = vector.broadcast %parallel_loop3A_411 : f32 to vector<16xf32>
      %parallel_loop3A_413 = arith.divf %parallel_loop3A_412, %parallel_loop3A_410 : vector<16xf32>
      %parallel_loop3A_414 = arith.constant 0 : i32
      %parallel_loop3A_415 = arith.index_cast %parallel_loop3A_414 : i32 to index
      %parallel_loop3A_416 = arith.index_cast %parallel_loop3A_236 : i32 to index
      %parallel_loop3A_417 = arith.constant 112 : index
      %parallel_loop3A_418 = tpu.vector_load %arg7[%parallel_loop3A_415, %parallel_loop3A_416, %parallel_loop3A_417] {strides = array<i32>} : memref<2x128x128xf32, #tpu.memory_space<vmem>>, vector<1x1x16xf32>,
      %parallel_loop3A_419 = vector.shape_cast %parallel_loop3A_418 : vector<1x1x16xf32> to vector<16xf32>
      %parallel_loop3A_420 = vector.shape_cast %parallel_loop3A_413 : vector<16xf32> to vector<1x1x16xf32>
      tpu.vector_store %arg7[%parallel_loop3A_415, %parallel_loop3A_416, %parallel_loop3A_417], %parallel_loop3A_420 {strides = array<i32>} : memref<2x128x128xf32, #tpu.memory_space<vmem>>, vector<1x1x16xf32>,
    } {sc.loop_unroll_factor = 1 : i64, sc.parallel_access}
    %add3A_58 = arith.constant 0 : i32
    %add3A_59 = arith.addi %mul3A_2, %add3A_58 : i32
    %dma_start3A_60 = arith.constant 0 : i32
    %dma_start3A_61 = arith.constant 0 : i32
    %dma_start3A_62 = arith.constant 0 : i32
    %dma_start3A_63 = arith.constant 0 : i32
    %dma_start3A_64 = tpu.memref_slice %arg7[%dma_start3A_60, %dma_start3A_62, %dma_start3A_63] : memref<2x128x128xf32, #tpu.memory_space<vmem>> -> memref<1x128x128xf32, #tpu.memory_space<vmem>>
    %dma_start3A_65 = tpu.memref_squeeze %dma_start3A_64 : memref<1x128x128xf32, #tpu.memory_space<vmem>> -> memref<128x128xf32, #tpu.memory_space<vmem>>
    %dma_start3A_66 = arith.constant 0 : i32
    %dma_start3A_67 = tpu.memref_slice %arg4[%add3A_59, %dma_start3A_66] : memref<16384x128xf32, #tpu.memory_space<hbm>> -> memref<128x128xf32, #tpu.memory_space<hbm>>
    %dma_start3A_68 = tpu.memref_slice %arg9[%dma_start3A_61] : memref<2x!tpu.dma_semaphore, #tpu.memory_space<semaphore_mem>> -> memref<1x!tpu.dma_semaphore, #tpu.memory_space<semaphore_mem>>
    %dma_start3A_69 = tpu.memref_squeeze %dma_start3A_68 : memref<1x!tpu.dma_semaphore, #tpu.memory_space<semaphore_mem>> -> memref<!tpu.dma_semaphore, #tpu.memory_space<semaphore_mem>>
    %dma_start3A_70 = arith.constant 0 : i32
    %dma_start3A_71 = tpu.memref_slice %arg4[%add3A_59, %dma_start3A_70] : memref<16384x128xf32, #tpu.memory_space<hbm>> -> memref<128x128xf32, #tpu.memory_space<hbm>>
    %dma_start3A_72 = arith.constant 0 : i32
    %dma_start3A_73 = arith.constant 0 : i32
    %dma_start3A_74 = tpu.memref_slice %arg7[%dma_start3A_60, %dma_start3A_72, %dma_start3A_73] : memref<2x128x128xf32, #tpu.memory_space<vmem>> -> memref<1x128x128xf32, #tpu.memory_space<vmem>>
    %dma_start3A_75 = tpu.memref_squeeze %dma_start3A_74 : memref<1x128x128xf32, #tpu.memory_space<vmem>> -> memref<128x128xf32, #tpu.memory_space<vmem>>
    tpu.enqueue_dma source(%dma_start3A_75 : memref<128x128xf32, #tpu.memory_space<vmem>>) target(%dma_start3A_71 : memref<128x128xf32, #tpu.memory_space<hbm>>) target_semaphore(%dma_start3A_69 : memref<!tpu.dma_semaphore, #tpu.memory_space<semaphore_mem>>)
    %dma_wait3A_76 = arith.constant 1 : i32
    %dma_wait3A_77 = arith.constant 128 : i32
    %dma_wait3A_78 = arith.constant 0 : i32
    %dma_wait3A_79 = tpu.memref_slice %arg6[%dma_wait3A_77, %dma_wait3A_78] : memref<512x128xf32, #tpu.memory_space<vmem>> -> memref<128x128xf32, #tpu.memory_space<vmem>>
    %dma_wait3A_80 = arith.constant 128 : i32
    %dma_wait3A_81 = tpu.memref_slice %arg5[%dma_wait3A_80] : memref<512xi32, #tpu.memory_space<vmem>> -> memref<128xi32, #tpu.memory_space<vmem>>
    %dma_wait3A_82 = arith.constant 0 : i32
    %dma_wait3A_83 = arith.constant 0 : i32
    %dma_wait3A_84 = tpu.memref_slice %arg3[%dma_wait3A_82, %dma_wait3A_83] : memref<100000x128xf32, #tpu.memory_space<hbm>> -> memref<100000x128xf32, #tpu.memory_space<hbm>>
    %dma_wait3A_85 = tpu.memref_slice %arg8[%dma_wait3A_76] : memref<4x!tpu.dma_semaphore, #tpu.memory_space<semaphore_mem>> -> memref<1x!tpu.dma_semaphore, #tpu.memory_space<semaphore_mem>>
    %dma_wait3A_86 = tpu.memref_squeeze %dma_wait3A_85 : memref<1x!tpu.dma_semaphore, #tpu.memory_space<semaphore_mem>> -> memref<!tpu.dma_semaphore, #tpu.memory_space<semaphore_mem>>
    tpu.wait_indirect_dma semaphore(%dma_wait3A_86 : memref<!tpu.dma_semaphore, #tpu.memory_space<semaphore_mem>>) src(%dma_wait3A_84 : memref<100000x128xf32, #tpu.memory_space<hbm>>) dst(%dma_wait3A_79 : memref<128x128xf32, #tpu.memory_space<vmem>>)
    %parallel_loop3A_87 = arith.constant 0 : i32
    %parallel_loop3A_88 = arith.constant 128 : i32
    %parallel_loop3A_89 = arith.constant 1 : i32
    scf.for %parallel_loop3A_236 = %parallel_loop3A_87 to %parallel_loop3A_88 step %parallel_loop3A_89  : i32 {
      %parallel_loop3A_237 = arith.constant 128 : i32
      %parallel_loop3A_238 = arith.addi %parallel_loop3A_237, %parallel_loop3A_236 : i32
      %parallel_loop3A_239 = arith.index_cast %parallel_loop3A_238 : i32 to index
      %parallel_loop3A_240 = arith.constant 0 : index
      %parallel_loop3A_241 = tpu.vector_load %arg6[%parallel_loop3A_239, %parallel_loop3A_240] {strides = array<i32>} : memref<512x128xf32, #tpu.memory_space<vmem>>, vector<1x16xf32>,
      %parallel_loop3A_242 = vector.shape_cast %parallel_loop3A_241 : vector<1x16xf32> to vector<16xf32>
      %parallel_loop3A_243 = arith.constant -4.000000e+02 : f32
      %parallel_loop3A_244 = vector.broadcast %parallel_loop3A_243 : f32 to vector<16xf32>
      %parallel_loop3A_245 = arith.mulf %parallel_loop3A_242, %parallel_loop3A_244 : vector<16xf32>
      %parallel_loop3A_246 = math.exp %parallel_loop3A_245 : vector<16xf32>
      %parallel_loop3A_247 = arith.constant 1.000000e+00 : f32
      %parallel_loop3A_248 = vector.broadcast %parallel_loop3A_247 : f32 to vector<16xf32>
      %parallel_loop3A_249 = arith.addf %parallel_loop3A_248, %parallel_loop3A_246 : vector<16xf32>
      %parallel_loop3A_250 = arith.constant 1.000000e+00 : f32
      %parallel_loop3A_251 = vector.broadcast %parallel_loop3A_250 : f32 to vector<16xf32>
      %parallel_loop3A_252 = arith.divf %parallel_loop3A_251, %parallel_loop3A_249 : vector<16xf32>
      %parallel_loop3A_253 = arith.constant 1 : i32
      %parallel_loop3A_254 = arith.index_cast %parallel_loop3A_253 : i32 to index
      %parallel_loop3A_255 = arith.index_cast %parallel_loop3A_236 : i32 to index
      %parallel_loop3A_256 = arith.constant 0 : index
      %parallel_loop3A_257 = tpu.vector_load %arg7[%parallel_loop3A_254, %parallel_loop3A_255, %parallel_loop3A_256] {strides = array<i32>} : memref<2x128x128xf32, #tpu.memory_space<vmem>>, vector<1x1x16xf32>,
      %parallel_loop3A_258 = vector.shape_cast %parallel_loop3A_257 : vector<1x1x16xf32> to vector<16xf32>
      %parallel_loop3A_259 = vector.shape_cast %parallel_loop3A_252 : vector<16xf32> to vector<1x1x16xf32>
      tpu.vector_store %arg7[%parallel_loop3A_254, %parallel_loop3A_255, %parallel_loop3A_256], %parallel_loop3A_259 {strides = array<i32>} : memref<2x128x128xf32, #tpu.memory_space<vmem>>, vector<1x1x16xf32>,
      %parallel_loop3A_260 = arith.constant 128 : i32
      %parallel_loop3A_261 = arith.addi %parallel_loop3A_260, %parallel_loop3A_236 : i32
      %parallel_loop3A_262 = arith.index_cast %parallel_loop3A_261 : i32 to index
      %parallel_loop3A_263 = arith.constant 16 : index
      %parallel_loop3A_264 = tpu.vector_load %arg6[%parallel_loop3A_262, %parallel_loop3A_263] {strides = array<i32>} : memref<512x128xf32, #tpu.memory_space<vmem>>, vector<1x16xf32>,
      %parallel_loop3A_265 = vector.shape_cast %parallel_loop3A_264 : vector<1x16xf32> to vector<16xf32>
      %parallel_loop3A_266 = arith.constant -4.000000e+02 : f32
      %parallel_loop3A_267 = vector.broadcast %parallel_loop3A_266 : f32 to vector<16xf32>
      %parallel_loop3A_268 = arith.mulf %parallel_loop3A_265, %parallel_loop3A_267 : vector<16xf32>
      %parallel_loop3A_269 = math.exp %parallel_loop3A_268 : vector<16xf32>
      %parallel_loop3A_270 = arith.constant 1.000000e+00 : f32
      %parallel_loop3A_271 = vector.broadcast %parallel_loop3A_270 : f32 to vector<16xf32>
      %parallel_loop3A_272 = arith.addf %parallel_loop3A_271, %parallel_loop3A_269 : vector<16xf32>
      %parallel_loop3A_273 = arith.constant 1.000000e+00 : f32
      %parallel_loop3A_274 = vector.broadcast %parallel_loop3A_273 : f32 to vector<16xf32>
      %parallel_loop3A_275 = arith.divf %parallel_loop3A_274, %parallel_loop3A_272 : vector<16xf32>
      %parallel_loop3A_276 = arith.constant 1 : i32
      %parallel_loop3A_277 = arith.index_cast %parallel_loop3A_276 : i32 to index
      %parallel_loop3A_278 = arith.index_cast %parallel_loop3A_236 : i32 to index
      %parallel_loop3A_279 = arith.constant 16 : index
      %parallel_loop3A_280 = tpu.vector_load %arg7[%parallel_loop3A_277, %parallel_loop3A_278, %parallel_loop3A_279] {strides = array<i32>} : memref<2x128x128xf32, #tpu.memory_space<vmem>>, vector<1x1x16xf32>,
      %parallel_loop3A_281 = vector.shape_cast %parallel_loop3A_280 : vector<1x1x16xf32> to vector<16xf32>
      %parallel_loop3A_282 = vector.shape_cast %parallel_loop3A_275 : vector<16xf32> to vector<1x1x16xf32>
      tpu.vector_store %arg7[%parallel_loop3A_277, %parallel_loop3A_278, %parallel_loop3A_279], %parallel_loop3A_282 {strides = array<i32>} : memref<2x128x128xf32, #tpu.memory_space<vmem>>, vector<1x1x16xf32>,
      %parallel_loop3A_283 = arith.constant 128 : i32
      %parallel_loop3A_284 = arith.addi %parallel_loop3A_283, %parallel_loop3A_236 : i32
      %parallel_loop3A_285 = arith.index_cast %parallel_loop3A_284 : i32 to index
      %parallel_loop3A_286 = arith.constant 32 : index
      %parallel_loop3A_287 = tpu.vector_load %arg6[%parallel_loop3A_285, %parallel_loop3A_286] {strides = array<i32>} : memref<512x128xf32, #tpu.memory_space<vmem>>, vector<1x16xf32>,
      %parallel_loop3A_288 = vector.shape_cast %parallel_loop3A_287 : vector<1x16xf32> to vector<16xf32>
      %parallel_loop3A_289 = arith.constant -4.000000e+02 : f32
      %parallel_loop3A_290 = vector.broadcast %parallel_loop3A_289 : f32 to vector<16xf32>
      %parallel_loop3A_291 = arith.mulf %parallel_loop3A_288, %parallel_loop3A_290 : vector<16xf32>
      %parallel_loop3A_292 = math.exp %parallel_loop3A_291 : vector<16xf32>
      %parallel_loop3A_293 = arith.constant 1.000000e+00 : f32
      %parallel_loop3A_294 = vector.broadcast %parallel_loop3A_293 : f32 to vector<16xf32>
      %parallel_loop3A_295 = arith.addf %parallel_loop3A_294, %parallel_loop3A_292 : vector<16xf32>
      %parallel_loop3A_296 = arith.constant 1.000000e+00 : f32
      %parallel_loop3A_297 = vector.broadcast %parallel_loop3A_296 : f32 to vector<16xf32>
      %parallel_loop3A_298 = arith.divf %parallel_loop3A_297, %parallel_loop3A_295 : vector<16xf32>
      %parallel_loop3A_299 = arith.constant 1 : i32
      %parallel_loop3A_300 = arith.index_cast %parallel_loop3A_299 : i32 to index
      %parallel_loop3A_301 = arith.index_cast %parallel_loop3A_236 : i32 to index
      %parallel_loop3A_302 = arith.constant 32 : index
      %parallel_loop3A_303 = tpu.vector_load %arg7[%parallel_loop3A_300, %parallel_loop3A_301, %parallel_loop3A_302] {strides = array<i32>} : memref<2x128x128xf32, #tpu.memory_space<vmem>>, vector<1x1x16xf32>,
      %parallel_loop3A_304 = vector.shape_cast %parallel_loop3A_303 : vector<1x1x16xf32> to vector<16xf32>
      %parallel_loop3A_305 = vector.shape_cast %parallel_loop3A_298 : vector<16xf32> to vector<1x1x16xf32>
      tpu.vector_store %arg7[%parallel_loop3A_300, %parallel_loop3A_301, %parallel_loop3A_302], %parallel_loop3A_305 {strides = array<i32>} : memref<2x128x128xf32, #tpu.memory_space<vmem>>, vector<1x1x16xf32>,
      %parallel_loop3A_306 = arith.constant 128 : i32
      %parallel_loop3A_307 = arith.addi %parallel_loop3A_306, %parallel_loop3A_236 : i32
      %parallel_loop3A_308 = arith.index_cast %parallel_loop3A_307 : i32 to index
      %parallel_loop3A_309 = arith.constant 48 : index
      %parallel_loop3A_310 = tpu.vector_load %arg6[%parallel_loop3A_308, %parallel_loop3A_309] {strides = array<i32>} : memref<512x128xf32, #tpu.memory_space<vmem>>, vector<1x16xf32>,
      %parallel_loop3A_311 = vector.shape_cast %parallel_loop3A_310 : vector<1x16xf32> to vector<16xf32>
      %parallel_loop3A_312 = arith.constant -4.000000e+02 : f32
      %parallel_loop3A_313 = vector.broadcast %parallel_loop3A_312 : f32 to vector<16xf32>
      %parallel_loop3A_314 = arith.mulf %parallel_loop3A_311, %parallel_loop3A_313 : vector<16xf32>
      %parallel_loop3A_315 = math.exp %parallel_loop3A_314 : vector<16xf32>
      %parallel_loop3A_316 = arith.constant 1.000000e+00 : f32
      %parallel_loop3A_317 = vector.broadcast %parallel_loop3A_316 : f32 to vector<16xf32>
      %parallel_loop3A_318 = arith.addf %parallel_loop3A_317, %parallel_loop3A_315 : vector<16xf32>
      %parallel_loop3A_319 = arith.constant 1.000000e+00 : f32
      %parallel_loop3A_320 = vector.broadcast %parallel_loop3A_319 : f32 to vector<16xf32>
      %parallel_loop3A_321 = arith.divf %parallel_loop3A_320, %parallel_loop3A_318 : vector<16xf32>
      %parallel_loop3A_322 = arith.constant 1 : i32
      %parallel_loop3A_323 = arith.index_cast %parallel_loop3A_322 : i32 to index
      %parallel_loop3A_324 = arith.index_cast %parallel_loop3A_236 : i32 to index
      %parallel_loop3A_325 = arith.constant 48 : index
      %parallel_loop3A_326 = tpu.vector_load %arg7[%parallel_loop3A_323, %parallel_loop3A_324, %parallel_loop3A_325] {strides = array<i32>} : memref<2x128x128xf32, #tpu.memory_space<vmem>>, vector<1x1x16xf32>,
      %parallel_loop3A_327 = vector.shape_cast %parallel_loop3A_326 : vector<1x1x16xf32> to vector<16xf32>
      %parallel_loop3A_328 = vector.shape_cast %parallel_loop3A_321 : vector<16xf32> to vector<1x1x16xf32>
      tpu.vector_store %arg7[%parallel_loop3A_323, %parallel_loop3A_324, %parallel_loop3A_325], %parallel_loop3A_328 {strides = array<i32>} : memref<2x128x128xf32, #tpu.memory_space<vmem>>, vector<1x1x16xf32>,
      %parallel_loop3A_329 = arith.constant 128 : i32
      %parallel_loop3A_330 = arith.addi %parallel_loop3A_329, %parallel_loop3A_236 : i32
      %parallel_loop3A_331 = arith.index_cast %parallel_loop3A_330 : i32 to index
      %parallel_loop3A_332 = arith.constant 64 : index
      %parallel_loop3A_333 = tpu.vector_load %arg6[%parallel_loop3A_331, %parallel_loop3A_332] {strides = array<i32>} : memref<512x128xf32, #tpu.memory_space<vmem>>, vector<1x16xf32>,
      %parallel_loop3A_334 = vector.shape_cast %parallel_loop3A_333 : vector<1x16xf32> to vector<16xf32>
      %parallel_loop3A_335 = arith.constant -4.000000e+02 : f32
      %parallel_loop3A_336 = vector.broadcast %parallel_loop3A_335 : f32 to vector<16xf32>
      %parallel_loop3A_337 = arith.mulf %parallel_loop3A_334, %parallel_loop3A_336 : vector<16xf32>
      %parallel_loop3A_338 = math.exp %parallel_loop3A_337 : vector<16xf32>
      %parallel_loop3A_339 = arith.constant 1.000000e+00 : f32
      %parallel_loop3A_340 = vector.broadcast %parallel_loop3A_339 : f32 to vector<16xf32>
      %parallel_loop3A_341 = arith.addf %parallel_loop3A_340, %parallel_loop3A_338 : vector<16xf32>
      %parallel_loop3A_342 = arith.constant 1.000000e+00 : f32
      %parallel_loop3A_343 = vector.broadcast %parallel_loop3A_342 : f32 to vector<16xf32>
      %parallel_loop3A_344 = arith.divf %parallel_loop3A_343, %parallel_loop3A_341 : vector<16xf32>
      %parallel_loop3A_345 = arith.constant 1 : i32
      %parallel_loop3A_346 = arith.index_cast %parallel_loop3A_345 : i32 to index
      %parallel_loop3A_347 = arith.index_cast %parallel_loop3A_236 : i32 to index
      %parallel_loop3A_348 = arith.constant 64 : index
      %parallel_loop3A_349 = tpu.vector_load %arg7[%parallel_loop3A_346, %parallel_loop3A_347, %parallel_loop3A_348] {strides = array<i32>} : memref<2x128x128xf32, #tpu.memory_space<vmem>>, vector<1x1x16xf32>,
      %parallel_loop3A_350 = vector.shape_cast %parallel_loop3A_349 : vector<1x1x16xf32> to vector<16xf32>
      %parallel_loop3A_351 = vector.shape_cast %parallel_loop3A_344 : vector<16xf32> to vector<1x1x16xf32>
      tpu.vector_store %arg7[%parallel_loop3A_346, %parallel_loop3A_347, %parallel_loop3A_348], %parallel_loop3A_351 {strides = array<i32>} : memref<2x128x128xf32, #tpu.memory_space<vmem>>, vector<1x1x16xf32>,
      %parallel_loop3A_352 = arith.constant 128 : i32
      %parallel_loop3A_353 = arith.addi %parallel_loop3A_352, %parallel_loop3A_236 : i32
      %parallel_loop3A_354 = arith.index_cast %parallel_loop3A_353 : i32 to index
      %parallel_loop3A_355 = arith.constant 80 : index
      %parallel_loop3A_356 = tpu.vector_load %arg6[%parallel_loop3A_354, %parallel_loop3A_355] {strides = array<i32>} : memref<512x128xf32, #tpu.memory_space<vmem>>, vector<1x16xf32>,
      %parallel_loop3A_357 = vector.shape_cast %parallel_loop3A_356 : vector<1x16xf32> to vector<16xf32>
      %parallel_loop3A_358 = arith.constant -4.000000e+02 : f32
      %parallel_loop3A_359 = vector.broadcast %parallel_loop3A_358 : f32 to vector<16xf32>
      %parallel_loop3A_360 = arith.mulf %parallel_loop3A_357, %parallel_loop3A_359 : vector<16xf32>
      %parallel_loop3A_361 = math.exp %parallel_loop3A_360 : vector<16xf32>
      %parallel_loop3A_362 = arith.constant 1.000000e+00 : f32
      %parallel_loop3A_363 = vector.broadcast %parallel_loop3A_362 : f32 to vector<16xf32>
      %parallel_loop3A_364 = arith.addf %parallel_loop3A_363, %parallel_loop3A_361 : vector<16xf32>
      %parallel_loop3A_365 = arith.constant 1.000000e+00 : f32
      %parallel_loop3A_366 = vector.broadcast %parallel_loop3A_365 : f32 to vector<16xf32>
      %parallel_loop3A_367 = arith.divf %parallel_loop3A_366, %parallel_loop3A_364 : vector<16xf32>
      %parallel_loop3A_368 = arith.constant 1 : i32
      %parallel_loop3A_369 = arith.index_cast %parallel_loop3A_368 : i32 to index
      %parallel_loop3A_370 = arith.index_cast %parallel_loop3A_236 : i32 to index
      %parallel_loop3A_371 = arith.constant 80 : index
      %parallel_loop3A_372 = tpu.vector_load %arg7[%parallel_loop3A_369, %parallel_loop3A_370, %parallel_loop3A_371] {strides = array<i32>} : memref<2x128x128xf32, #tpu.memory_space<vmem>>, vector<1x1x16xf32>,
      %parallel_loop3A_373 = vector.shape_cast %parallel_loop3A_372 : vector<1x1x16xf32> to vector<16xf32>
      %parallel_loop3A_374 = vector.shape_cast %parallel_loop3A_367 : vector<16xf32> to vector<1x1x16xf32>
      tpu.vector_store %arg7[%parallel_loop3A_369, %parallel_loop3A_370, %parallel_loop3A_371], %parallel_loop3A_374 {strides = array<i32>} : memref<2x128x128xf32, #tpu.memory_space<vmem>>, vector<1x1x16xf32>,
      %parallel_loop3A_375 = arith.constant 128 : i32
      %parallel_loop3A_376 = arith.addi %parallel_loop3A_375, %parallel_loop3A_236 : i32
      %parallel_loop3A_377 = arith.index_cast %parallel_loop3A_376 : i32 to index
      %parallel_loop3A_378 = arith.constant 96 : index
      %parallel_loop3A_379 = tpu.vector_load %arg6[%parallel_loop3A_377, %parallel_loop3A_378] {strides = array<i32>} : memref<512x128xf32, #tpu.memory_space<vmem>>, vector<1x16xf32>,
      %parallel_loop3A_380 = vector.shape_cast %parallel_loop3A_379 : vector<1x16xf32> to vector<16xf32>
      %parallel_loop3A_381 = arith.constant -4.000000e+02 : f32
      %parallel_loop3A_382 = vector.broadcast %parallel_loop3A_381 : f32 to vector<16xf32>
      %parallel_loop3A_383 = arith.mulf %parallel_loop3A_380, %parallel_loop3A_382 : vector<16xf32>
      %parallel_loop3A_384 = math.exp %parallel_loop3A_383 : vector<16xf32>
      %parallel_loop3A_385 = arith.constant 1.000000e+00 : f32
      %parallel_loop3A_386 = vector.broadcast %parallel_loop3A_385 : f32 to vector<16xf32>
      %parallel_loop3A_387 = arith.addf %parallel_loop3A_386, %parallel_loop3A_384 : vector<16xf32>
      %parallel_loop3A_388 = arith.constant 1.000000e+00 : f32
      %parallel_loop3A_389 = vector.broadcast %parallel_loop3A_388 : f32 to vector<16xf32>
      %parallel_loop3A_390 = arith.divf %parallel_loop3A_389, %parallel_loop3A_387 : vector<16xf32>
      %parallel_loop3A_391 = arith.constant 1 : i32
      %parallel_loop3A_392 = arith.index_cast %parallel_loop3A_391 : i32 to index
      %parallel_loop3A_393 = arith.index_cast %parallel_loop3A_236 : i32 to index
      %parallel_loop3A_394 = arith.constant 96 : index
      %parallel_loop3A_395 = tpu.vector_load %arg7[%parallel_loop3A_392, %parallel_loop3A_393, %parallel_loop3A_394] {strides = array<i32>} : memref<2x128x128xf32, #tpu.memory_space<vmem>>, vector<1x1x16xf32>,
      %parallel_loop3A_396 = vector.shape_cast %parallel_loop3A_395 : vector<1x1x16xf32> to vector<16xf32>
      %parallel_loop3A_397 = vector.shape_cast %parallel_loop3A_390 : vector<16xf32> to vector<1x1x16xf32>
      tpu.vector_store %arg7[%parallel_loop3A_392, %parallel_loop3A_393, %parallel_loop3A_394], %parallel_loop3A_397 {strides = array<i32>} : memref<2x128x128xf32, #tpu.memory_space<vmem>>, vector<1x1x16xf32>,
      %parallel_loop3A_398 = arith.constant 128 : i32
      %parallel_loop3A_399 = arith.addi %parallel_loop3A_398, %parallel_loop3A_236 : i32
      %parallel_loop3A_400 = arith.index_cast %parallel_loop3A_399 : i32 to index
      %parallel_loop3A_401 = arith.constant 112 : index
      %parallel_loop3A_402 = tpu.vector_load %arg6[%parallel_loop3A_400, %parallel_loop3A_401] {strides = array<i32>} : memref<512x128xf32, #tpu.memory_space<vmem>>, vector<1x16xf32>,
      %parallel_loop3A_403 = vector.shape_cast %parallel_loop3A_402 : vector<1x16xf32> to vector<16xf32>
      %parallel_loop3A_404 = arith.constant -4.000000e+02 : f32
      %parallel_loop3A_405 = vector.broadcast %parallel_loop3A_404 : f32 to vector<16xf32>
      %parallel_loop3A_406 = arith.mulf %parallel_loop3A_403, %parallel_loop3A_405 : vector<16xf32>
      %parallel_loop3A_407 = math.exp %parallel_loop3A_406 : vector<16xf32>
      %parallel_loop3A_408 = arith.constant 1.000000e+00 : f32
      %parallel_loop3A_409 = vector.broadcast %parallel_loop3A_408 : f32 to vector<16xf32>
      %parallel_loop3A_410 = arith.addf %parallel_loop3A_409, %parallel_loop3A_407 : vector<16xf32>
      %parallel_loop3A_411 = arith.constant 1.000000e+00 : f32
      %parallel_loop3A_412 = vector.broadcast %parallel_loop3A_411 : f32 to vector<16xf32>
      %parallel_loop3A_413 = arith.divf %parallel_loop3A_412, %parallel_loop3A_410 : vector<16xf32>
      %parallel_loop3A_414 = arith.constant 1 : i32
      %parallel_loop3A_415 = arith.index_cast %parallel_loop3A_414 : i32 to index
      %parallel_loop3A_416 = arith.index_cast %parallel_loop3A_236 : i32 to index
      %parallel_loop3A_417 = arith.constant 112 : index
      %parallel_loop3A_418 = tpu.vector_load %arg7[%parallel_loop3A_415, %parallel_loop3A_416, %parallel_loop3A_417] {strides = array<i32>} : memref<2x128x128xf32, #tpu.memory_space<vmem>>, vector<1x1x16xf32>,
      %parallel_loop3A_419 = vector.shape_cast %parallel_loop3A_418 : vector<1x1x16xf32> to vector<16xf32>
      %parallel_loop3A_420 = vector.shape_cast %parallel_loop3A_413 : vector<16xf32> to vector<1x1x16xf32>
      tpu.vector_store %arg7[%parallel_loop3A_415, %parallel_loop3A_416, %parallel_loop3A_417], %parallel_loop3A_420 {strides = array<i32>} : memref<2x128x128xf32, #tpu.memory_space<vmem>>, vector<1x1x16xf32>,
    } {sc.loop_unroll_factor = 1 : i64, sc.parallel_access}
    %add3A_90 = arith.constant 128 : i32
    %add3A_91 = arith.addi %mul3A_2, %add3A_90 : i32
    %dma_start3A_92 = arith.constant 1 : i32
    %dma_start3A_93 = arith.constant 1 : i32
    %dma_start3A_94 = arith.constant 0 : i32
    %dma_start3A_95 = arith.constant 0 : i32
    %dma_start3A_96 = tpu.memref_slice %arg7[%dma_start3A_92, %dma_start3A_94, %dma_start3A_95] : memref<2x128x128xf32, #tpu.memory_space<vmem>> -> memref<1x128x128xf32, #tpu.memory_space<vmem>>
    %dma_start3A_97 = tpu.memref_squeeze %dma_start3A_96 : memref<1x128x128xf32, #tpu.memory_space<vmem>> -> memref<128x128xf32, #tpu.memory_space<vmem>>
    %dma_start3A_98 = arith.constant 0 : i32
    %dma_start3A_99 = tpu.memref_slice %arg4[%add3A_91, %dma_start3A_98] : memref<16384x128xf32, #tpu.memory_space<hbm>> -> memref<128x128xf32, #tpu.memory_space<hbm>>
    %dma_start3A_100 = tpu.memref_slice %arg9[%dma_start3A_93] : memref<2x!tpu.dma_semaphore, #tpu.memory_space<semaphore_mem>> -> memref<1x!tpu.dma_semaphore, #tpu.memory_space<semaphore_mem>>
    %dma_start3A_101 = tpu.memref_squeeze %dma_start3A_100 : memref<1x!tpu.dma_semaphore, #tpu.memory_space<semaphore_mem>> -> memref<!tpu.dma_semaphore, #tpu.memory_space<semaphore_mem>>
    %dma_start3A_102 = arith.constant 0 : i32
    %dma_start3A_103 = tpu.memref_slice %arg4[%add3A_91, %dma_start3A_102] : memref<16384x128xf32, #tpu.memory_space<hbm>> -> memref<128x128xf32, #tpu.memory_space<hbm>>
    %dma_start3A_104 = arith.constant 0 : i32
    %dma_start3A_105 = arith.constant 0 : i32
    %dma_start3A_106 = tpu.memref_slice %arg7[%dma_start3A_92, %dma_start3A_104, %dma_start3A_105] : memref<2x128x128xf32, #tpu.memory_space<vmem>> -> memref<1x128x128xf32, #tpu.memory_space<vmem>>
    %dma_start3A_107 = tpu.memref_squeeze %dma_start3A_106 : memref<1x128x128xf32, #tpu.memory_space<vmem>> -> memref<128x128xf32, #tpu.memory_space<vmem>>
    tpu.enqueue_dma source(%dma_start3A_107 : memref<128x128xf32, #tpu.memory_space<vmem>>) target(%dma_start3A_103 : memref<128x128xf32, #tpu.memory_space<hbm>>) target_semaphore(%dma_start3A_101 : memref<!tpu.dma_semaphore, #tpu.memory_space<semaphore_mem>>)
    %dma_wait3A_108 = arith.constant 2 : i32
    %dma_wait3A_109 = arith.constant 256 : i32
    %dma_wait3A_110 = arith.constant 0 : i32
    %dma_wait3A_111 = tpu.memref_slice %arg6[%dma_wait3A_109, %dma_wait3A_110] : memref<512x128xf32, #tpu.memory_space<vmem>> -> memref<128x128xf32, #tpu.memory_space<vmem>>
    %dma_wait3A_112 = arith.constant 256 : i32
    %dma_wait3A_113 = tpu.memref_slice %arg5[%dma_wait3A_112] : memref<512xi32, #tpu.memory_space<vmem>> -> memref<128xi32, #tpu.memory_space<vmem>>
    %dma_wait3A_114 = arith.constant 0 : i32
    %dma_wait3A_115 = arith.constant 0 : i32
    %dma_wait3A_116 = tpu.memref_slice %arg3[%dma_wait3A_114, %dma_wait3A_115] : memref<100000x128xf32, #tpu.memory_space<hbm>> -> memref<100000x128xf32, #tpu.memory_space<hbm>>
    %dma_wait3A_117 = tpu.memref_slice %arg8[%dma_wait3A_108] : memref<4x!tpu.dma_semaphore, #tpu.memory_space<semaphore_mem>> -> memref<1x!tpu.dma_semaphore, #tpu.memory_space<semaphore_mem>>
    %dma_wait3A_118 = tpu.memref_squeeze %dma_wait3A_117 : memref<1x!tpu.dma_semaphore, #tpu.memory_space<semaphore_mem>> -> memref<!tpu.dma_semaphore, #tpu.memory_space<semaphore_mem>>
    tpu.wait_indirect_dma semaphore(%dma_wait3A_118 : memref<!tpu.dma_semaphore, #tpu.memory_space<semaphore_mem>>) src(%dma_wait3A_116 : memref<100000x128xf32, #tpu.memory_space<hbm>>) dst(%dma_wait3A_111 : memref<128x128xf32, #tpu.memory_space<vmem>>)
    %dma_wait3A_119 = arith.constant 0 : i32
    %dma_wait3A_120 = arith.constant 0 : i32
    %dma_wait3A_121 = arith.constant 0 : i32
    %dma_wait3A_122 = arith.constant 0 : i32
    %dma_wait3A_123 = tpu.memref_slice %arg7[%dma_wait3A_119, %dma_wait3A_121, %dma_wait3A_122] : memref<2x128x128xf32, #tpu.memory_space<vmem>> -> memref<1x128x128xf32, #tpu.memory_space<vmem>>
    %dma_wait3A_124 = tpu.memref_squeeze %dma_wait3A_123 : memref<1x128x128xf32, #tpu.memory_space<vmem>> -> memref<128x128xf32, #tpu.memory_space<vmem>>
    %dma_wait3A_125 = arith.constant 0 : i32
    %dma_wait3A_126 = tpu.memref_slice %arg4[%add3A_59, %dma_wait3A_125] : memref<16384x128xf32, #tpu.memory_space<hbm>> -> memref<128x128xf32, #tpu.memory_space<hbm>>
    %dma_wait3A_127 = tpu.memref_slice %arg9[%dma_wait3A_120] : memref<2x!tpu.dma_semaphore, #tpu.memory_space<semaphore_mem>> -> memref<1x!tpu.dma_semaphore, #tpu.memory_space<semaphore_mem>>
    %dma_wait3A_128 = tpu.memref_squeeze %dma_wait3A_127 : memref<1x!tpu.dma_semaphore, #tpu.memory_space<semaphore_mem>> -> memref<!tpu.dma_semaphore, #tpu.memory_space<semaphore_mem>>
    %dma_wait3A_129 = arith.constant 0 : i32
    %dma_wait3A_130 = tpu.memref_slice %arg4[%add3A_59, %dma_wait3A_129] : memref<16384x128xf32, #tpu.memory_space<hbm>> -> memref<128x128xf32, #tpu.memory_space<hbm>>
    %dma_wait3A_131 = arith.constant 0 : i32
    %dma_wait3A_132 = arith.constant 0 : i32
    %dma_wait3A_133 = tpu.memref_slice %arg7[%dma_wait3A_119, %dma_wait3A_131, %dma_wait3A_132] : memref<2x128x128xf32, #tpu.memory_space<vmem>> -> memref<1x128x128xf32, #tpu.memory_space<vmem>>
    %dma_wait3A_134 = tpu.memref_squeeze %dma_wait3A_133 : memref<1x128x128xf32, #tpu.memory_space<vmem>> -> memref<128x128xf32, #tpu.memory_space<vmem>>
    tpu.wait_dma2 semaphore(%dma_wait3A_128 : memref<!tpu.dma_semaphore, #tpu.memory_space<semaphore_mem>>) src(%dma_wait3A_134 : memref<128x128xf32, #tpu.memory_space<vmem>>) dst(%dma_wait3A_130 : memref<128x128xf32, #tpu.memory_space<hbm>>)
    %parallel_loop3A_135 = arith.constant 0 : i32
    %parallel_loop3A_136 = arith.constant 128 : i32
    %parallel_loop3A_137 = arith.constant 1 : i32
    scf.for %parallel_loop3A_236 = %parallel_loop3A_135 to %parallel_loop3A_136 step %parallel_loop3A_137  : i32 {
      %parallel_loop3A_237 = arith.constant 256 : i32
      %parallel_loop3A_238 = arith.addi %parallel_loop3A_237, %parallel_loop3A_236 : i32
      %parallel_loop3A_239 = arith.index_cast %parallel_loop3A_238 : i32 to index
      %parallel_loop3A_240 = arith.constant 0 : index
      %parallel_loop3A_241 = tpu.vector_load %arg6[%parallel_loop3A_239, %parallel_loop3A_240] {strides = array<i32>} : memref<512x128xf32, #tpu.memory_space<vmem>>, vector<1x16xf32>,
      %parallel_loop3A_242 = vector.shape_cast %parallel_loop3A_241 : vector<1x16xf32> to vector<16xf32>
      %parallel_loop3A_243 = arith.constant -4.000000e+02 : f32
      %parallel_loop3A_244 = vector.broadcast %parallel_loop3A_243 : f32 to vector<16xf32>
      %parallel_loop3A_245 = arith.mulf %parallel_loop3A_242, %parallel_loop3A_244 : vector<16xf32>
      %parallel_loop3A_246 = math.exp %parallel_loop3A_245 : vector<16xf32>
      %parallel_loop3A_247 = arith.constant 1.000000e+00 : f32
      %parallel_loop3A_248 = vector.broadcast %parallel_loop3A_247 : f32 to vector<16xf32>
      %parallel_loop3A_249 = arith.addf %parallel_loop3A_248, %parallel_loop3A_246 : vector<16xf32>
      %parallel_loop3A_250 = arith.constant 1.000000e+00 : f32
      %parallel_loop3A_251 = vector.broadcast %parallel_loop3A_250 : f32 to vector<16xf32>
      %parallel_loop3A_252 = arith.divf %parallel_loop3A_251, %parallel_loop3A_249 : vector<16xf32>
      %parallel_loop3A_253 = arith.constant 0 : i32
      %parallel_loop3A_254 = arith.index_cast %parallel_loop3A_253 : i32 to index
      %parallel_loop3A_255 = arith.index_cast %parallel_loop3A_236 : i32 to index
      %parallel_loop3A_256 = arith.constant 0 : index
      %parallel_loop3A_257 = tpu.vector_load %arg7[%parallel_loop3A_254, %parallel_loop3A_255, %parallel_loop3A_256] {strides = array<i32>} : memref<2x128x128xf32, #tpu.memory_space<vmem>>, vector<1x1x16xf32>,
      %parallel_loop3A_258 = vector.shape_cast %parallel_loop3A_257 : vector<1x1x16xf32> to vector<16xf32>
      %parallel_loop3A_259 = vector.shape_cast %parallel_loop3A_252 : vector<16xf32> to vector<1x1x16xf32>
      tpu.vector_store %arg7[%parallel_loop3A_254, %parallel_loop3A_255, %parallel_loop3A_256], %parallel_loop3A_259 {strides = array<i32>} : memref<2x128x128xf32, #tpu.memory_space<vmem>>, vector<1x1x16xf32>,
      %parallel_loop3A_260 = arith.constant 256 : i32
      %parallel_loop3A_261 = arith.addi %parallel_loop3A_260, %parallel_loop3A_236 : i32
      %parallel_loop3A_262 = arith.index_cast %parallel_loop3A_261 : i32 to index
      %parallel_loop3A_263 = arith.constant 16 : index
      %parallel_loop3A_264 = tpu.vector_load %arg6[%parallel_loop3A_262, %parallel_loop3A_263] {strides = array<i32>} : memref<512x128xf32, #tpu.memory_space<vmem>>, vector<1x16xf32>,
      %parallel_loop3A_265 = vector.shape_cast %parallel_loop3A_264 : vector<1x16xf32> to vector<16xf32>
      %parallel_loop3A_266 = arith.constant -4.000000e+02 : f32
      %parallel_loop3A_267 = vector.broadcast %parallel_loop3A_266 : f32 to vector<16xf32>
      %parallel_loop3A_268 = arith.mulf %parallel_loop3A_265, %parallel_loop3A_267 : vector<16xf32>
      %parallel_loop3A_269 = math.exp %parallel_loop3A_268 : vector<16xf32>
      %parallel_loop3A_270 = arith.constant 1.000000e+00 : f32
      %parallel_loop3A_271 = vector.broadcast %parallel_loop3A_270 : f32 to vector<16xf32>
      %parallel_loop3A_272 = arith.addf %parallel_loop3A_271, %parallel_loop3A_269 : vector<16xf32>
      %parallel_loop3A_273 = arith.constant 1.000000e+00 : f32
      %parallel_loop3A_274 = vector.broadcast %parallel_loop3A_273 : f32 to vector<16xf32>
      %parallel_loop3A_275 = arith.divf %parallel_loop3A_274, %parallel_loop3A_272 : vector<16xf32>
      %parallel_loop3A_276 = arith.constant 0 : i32
      %parallel_loop3A_277 = arith.index_cast %parallel_loop3A_276 : i32 to index
      %parallel_loop3A_278 = arith.index_cast %parallel_loop3A_236 : i32 to index
      %parallel_loop3A_279 = arith.constant 16 : index
      %parallel_loop3A_280 = tpu.vector_load %arg7[%parallel_loop3A_277, %parallel_loop3A_278, %parallel_loop3A_279] {strides = array<i32>} : memref<2x128x128xf32, #tpu.memory_space<vmem>>, vector<1x1x16xf32>,
      %parallel_loop3A_281 = vector.shape_cast %parallel_loop3A_280 : vector<1x1x16xf32> to vector<16xf32>
      %parallel_loop3A_282 = vector.shape_cast %parallel_loop3A_275 : vector<16xf32> to vector<1x1x16xf32>
      tpu.vector_store %arg7[%parallel_loop3A_277, %parallel_loop3A_278, %parallel_loop3A_279], %parallel_loop3A_282 {strides = array<i32>} : memref<2x128x128xf32, #tpu.memory_space<vmem>>, vector<1x1x16xf32>,
      %parallel_loop3A_283 = arith.constant 256 : i32
      %parallel_loop3A_284 = arith.addi %parallel_loop3A_283, %parallel_loop3A_236 : i32
      %parallel_loop3A_285 = arith.index_cast %parallel_loop3A_284 : i32 to index
      %parallel_loop3A_286 = arith.constant 32 : index
      %parallel_loop3A_287 = tpu.vector_load %arg6[%parallel_loop3A_285, %parallel_loop3A_286] {strides = array<i32>} : memref<512x128xf32, #tpu.memory_space<vmem>>, vector<1x16xf32>,
      %parallel_loop3A_288 = vector.shape_cast %parallel_loop3A_287 : vector<1x16xf32> to vector<16xf32>
      %parallel_loop3A_289 = arith.constant -4.000000e+02 : f32
      %parallel_loop3A_290 = vector.broadcast %parallel_loop3A_289 : f32 to vector<16xf32>
      %parallel_loop3A_291 = arith.mulf %parallel_loop3A_288, %parallel_loop3A_290 : vector<16xf32>
      %parallel_loop3A_292 = math.exp %parallel_loop3A_291 : vector<16xf32>
      %parallel_loop3A_293 = arith.constant 1.000000e+00 : f32
      %parallel_loop3A_294 = vector.broadcast %parallel_loop3A_293 : f32 to vector<16xf32>
      %parallel_loop3A_295 = arith.addf %parallel_loop3A_294, %parallel_loop3A_292 : vector<16xf32>
      %parallel_loop3A_296 = arith.constant 1.000000e+00 : f32
      %parallel_loop3A_297 = vector.broadcast %parallel_loop3A_296 : f32 to vector<16xf32>
      %parallel_loop3A_298 = arith.divf %parallel_loop3A_297, %parallel_loop3A_295 : vector<16xf32>
      %parallel_loop3A_299 = arith.constant 0 : i32
      %parallel_loop3A_300 = arith.index_cast %parallel_loop3A_299 : i32 to index
      %parallel_loop3A_301 = arith.index_cast %parallel_loop3A_236 : i32 to index
      %parallel_loop3A_302 = arith.constant 32 : index
      %parallel_loop3A_303 = tpu.vector_load %arg7[%parallel_loop3A_300, %parallel_loop3A_301, %parallel_loop3A_302] {strides = array<i32>} : memref<2x128x128xf32, #tpu.memory_space<vmem>>, vector<1x1x16xf32>,
      %parallel_loop3A_304 = vector.shape_cast %parallel_loop3A_303 : vector<1x1x16xf32> to vector<16xf32>
      %parallel_loop3A_305 = vector.shape_cast %parallel_loop3A_298 : vector<16xf32> to vector<1x1x16xf32>
      tpu.vector_store %arg7[%parallel_loop3A_300, %parallel_loop3A_301, %parallel_loop3A_302], %parallel_loop3A_305 {strides = array<i32>} : memref<2x128x128xf32, #tpu.memory_space<vmem>>, vector<1x1x16xf32>,
      %parallel_loop3A_306 = arith.constant 256 : i32
      %parallel_loop3A_307 = arith.addi %parallel_loop3A_306, %parallel_loop3A_236 : i32
      %parallel_loop3A_308 = arith.index_cast %parallel_loop3A_307 : i32 to index
      %parallel_loop3A_309 = arith.constant 48 : index
      %parallel_loop3A_310 = tpu.vector_load %arg6[%parallel_loop3A_308, %parallel_loop3A_309] {strides = array<i32>} : memref<512x128xf32, #tpu.memory_space<vmem>>, vector<1x16xf32>,
      %parallel_loop3A_311 = vector.shape_cast %parallel_loop3A_310 : vector<1x16xf32> to vector<16xf32>
      %parallel_loop3A_312 = arith.constant -4.000000e+02 : f32
      %parallel_loop3A_313 = vector.broadcast %parallel_loop3A_312 : f32 to vector<16xf32>
      %parallel_loop3A_314 = arith.mulf %parallel_loop3A_311, %parallel_loop3A_313 : vector<16xf32>
      %parallel_loop3A_315 = math.exp %parallel_loop3A_314 : vector<16xf32>
      %parallel_loop3A_316 = arith.constant 1.000000e+00 : f32
      %parallel_loop3A_317 = vector.broadcast %parallel_loop3A_316 : f32 to vector<16xf32>
      %parallel_loop3A_318 = arith.addf %parallel_loop3A_317, %parallel_loop3A_315 : vector<16xf32>
      %parallel_loop3A_319 = arith.constant 1.000000e+00 : f32
      %parallel_loop3A_320 = vector.broadcast %parallel_loop3A_319 : f32 to vector<16xf32>
      %parallel_loop3A_321 = arith.divf %parallel_loop3A_320, %parallel_loop3A_318 : vector<16xf32>
      %parallel_loop3A_322 = arith.constant 0 : i32
      %parallel_loop3A_323 = arith.index_cast %parallel_loop3A_322 : i32 to index
      %parallel_loop3A_324 = arith.index_cast %parallel_loop3A_236 : i32 to index
      %parallel_loop3A_325 = arith.constant 48 : index
      %parallel_loop3A_326 = tpu.vector_load %arg7[%parallel_loop3A_323, %parallel_loop3A_324, %parallel_loop3A_325] {strides = array<i32>} : memref<2x128x128xf32, #tpu.memory_space<vmem>>, vector<1x1x16xf32>,
      %parallel_loop3A_327 = vector.shape_cast %parallel_loop3A_326 : vector<1x1x16xf32> to vector<16xf32>
      %parallel_loop3A_328 = vector.shape_cast %parallel_loop3A_321 : vector<16xf32> to vector<1x1x16xf32>
      tpu.vector_store %arg7[%parallel_loop3A_323, %parallel_loop3A_324, %parallel_loop3A_325], %parallel_loop3A_328 {strides = array<i32>} : memref<2x128x128xf32, #tpu.memory_space<vmem>>, vector<1x1x16xf32>,
      %parallel_loop3A_329 = arith.constant 256 : i32
      %parallel_loop3A_330 = arith.addi %parallel_loop3A_329, %parallel_loop3A_236 : i32
      %parallel_loop3A_331 = arith.index_cast %parallel_loop3A_330 : i32 to index
      %parallel_loop3A_332 = arith.constant 64 : index
      %parallel_loop3A_333 = tpu.vector_load %arg6[%parallel_loop3A_331, %parallel_loop3A_332] {strides = array<i32>} : memref<512x128xf32, #tpu.memory_space<vmem>>, vector<1x16xf32>,
      %parallel_loop3A_334 = vector.shape_cast %parallel_loop3A_333 : vector<1x16xf32> to vector<16xf32>
      %parallel_loop3A_335 = arith.constant -4.000000e+02 : f32
      %parallel_loop3A_336 = vector.broadcast %parallel_loop3A_335 : f32 to vector<16xf32>
      %parallel_loop3A_337 = arith.mulf %parallel_loop3A_334, %parallel_loop3A_336 : vector<16xf32>
      %parallel_loop3A_338 = math.exp %parallel_loop3A_337 : vector<16xf32>
      %parallel_loop3A_339 = arith.constant 1.000000e+00 : f32
      %parallel_loop3A_340 = vector.broadcast %parallel_loop3A_339 : f32 to vector<16xf32>
      %parallel_loop3A_341 = arith.addf %parallel_loop3A_340, %parallel_loop3A_338 : vector<16xf32>
      %parallel_loop3A_342 = arith.constant 1.000000e+00 : f32
      %parallel_loop3A_343 = vector.broadcast %parallel_loop3A_342 : f32 to vector<16xf32>
      %parallel_loop3A_344 = arith.divf %parallel_loop3A_343, %parallel_loop3A_341 : vector<16xf32>
      %parallel_loop3A_345 = arith.constant 0 : i32
      %parallel_loop3A_346 = arith.index_cast %parallel_loop3A_345 : i32 to index
      %parallel_loop3A_347 = arith.index_cast %parallel_loop3A_236 : i32 to index
      %parallel_loop3A_348 = arith.constant 64 : index
      %parallel_loop3A_349 = tpu.vector_load %arg7[%parallel_loop3A_346, %parallel_loop3A_347, %parallel_loop3A_348] {strides = array<i32>} : memref<2x128x128xf32, #tpu.memory_space<vmem>>, vector<1x1x16xf32>,
      %parallel_loop3A_350 = vector.shape_cast %parallel_loop3A_349 : vector<1x1x16xf32> to vector<16xf32>
      %parallel_loop3A_351 = vector.shape_cast %parallel_loop3A_344 : vector<16xf32> to vector<1x1x16xf32>
      tpu.vector_store %arg7[%parallel_loop3A_346, %parallel_loop3A_347, %parallel_loop3A_348], %parallel_loop3A_351 {strides = array<i32>} : memref<2x128x128xf32, #tpu.memory_space<vmem>>, vector<1x1x16xf32>,
      %parallel_loop3A_352 = arith.constant 256 : i32
      %parallel_loop3A_353 = arith.addi %parallel_loop3A_352, %parallel_loop3A_236 : i32
      %parallel_loop3A_354 = arith.index_cast %parallel_loop3A_353 : i32 to index
      %parallel_loop3A_355 = arith.constant 80 : index
      %parallel_loop3A_356 = tpu.vector_load %arg6[%parallel_loop3A_354, %parallel_loop3A_355] {strides = array<i32>} : memref<512x128xf32, #tpu.memory_space<vmem>>, vector<1x16xf32>,
      %parallel_loop3A_357 = vector.shape_cast %parallel_loop3A_356 : vector<1x16xf32> to vector<16xf32>
      %parallel_loop3A_358 = arith.constant -4.000000e+02 : f32
      %parallel_loop3A_359 = vector.broadcast %parallel_loop3A_358 : f32 to vector<16xf32>
      %parallel_loop3A_360 = arith.mulf %parallel_loop3A_357, %parallel_loop3A_359 : vector<16xf32>
      %parallel_loop3A_361 = math.exp %parallel_loop3A_360 : vector<16xf32>
      %parallel_loop3A_362 = arith.constant 1.000000e+00 : f32
      %parallel_loop3A_363 = vector.broadcast %parallel_loop3A_362 : f32 to vector<16xf32>
      %parallel_loop3A_364 = arith.addf %parallel_loop3A_363, %parallel_loop3A_361 : vector<16xf32>
      %parallel_loop3A_365 = arith.constant 1.000000e+00 : f32
      %parallel_loop3A_366 = vector.broadcast %parallel_loop3A_365 : f32 to vector<16xf32>
      %parallel_loop3A_367 = arith.divf %parallel_loop3A_366, %parallel_loop3A_364 : vector<16xf32>
      %parallel_loop3A_368 = arith.constant 0 : i32
      %parallel_loop3A_369 = arith.index_cast %parallel_loop3A_368 : i32 to index
      %parallel_loop3A_370 = arith.index_cast %parallel_loop3A_236 : i32 to index
      %parallel_loop3A_371 = arith.constant 80 : index
      %parallel_loop3A_372 = tpu.vector_load %arg7[%parallel_loop3A_369, %parallel_loop3A_370, %parallel_loop3A_371] {strides = array<i32>} : memref<2x128x128xf32, #tpu.memory_space<vmem>>, vector<1x1x16xf32>,
      %parallel_loop3A_373 = vector.shape_cast %parallel_loop3A_372 : vector<1x1x16xf32> to vector<16xf32>
      %parallel_loop3A_374 = vector.shape_cast %parallel_loop3A_367 : vector<16xf32> to vector<1x1x16xf32>
      tpu.vector_store %arg7[%parallel_loop3A_369, %parallel_loop3A_370, %parallel_loop3A_371], %parallel_loop3A_374 {strides = array<i32>} : memref<2x128x128xf32, #tpu.memory_space<vmem>>, vector<1x1x16xf32>,
      %parallel_loop3A_375 = arith.constant 256 : i32
      %parallel_loop3A_376 = arith.addi %parallel_loop3A_375, %parallel_loop3A_236 : i32
      %parallel_loop3A_377 = arith.index_cast %parallel_loop3A_376 : i32 to index
      %parallel_loop3A_378 = arith.constant 96 : index
      %parallel_loop3A_379 = tpu.vector_load %arg6[%parallel_loop3A_377, %parallel_loop3A_378] {strides = array<i32>} : memref<512x128xf32, #tpu.memory_space<vmem>>, vector<1x16xf32>,
      %parallel_loop3A_380 = vector.shape_cast %parallel_loop3A_379 : vector<1x16xf32> to vector<16xf32>
      %parallel_loop3A_381 = arith.constant -4.000000e+02 : f32
      %parallel_loop3A_382 = vector.broadcast %parallel_loop3A_381 : f32 to vector<16xf32>
      %parallel_loop3A_383 = arith.mulf %parallel_loop3A_380, %parallel_loop3A_382 : vector<16xf32>
      %parallel_loop3A_384 = math.exp %parallel_loop3A_383 : vector<16xf32>
      %parallel_loop3A_385 = arith.constant 1.000000e+00 : f32
      %parallel_loop3A_386 = vector.broadcast %parallel_loop3A_385 : f32 to vector<16xf32>
      %parallel_loop3A_387 = arith.addf %parallel_loop3A_386, %parallel_loop3A_384 : vector<16xf32>
      %parallel_loop3A_388 = arith.constant 1.000000e+00 : f32
      %parallel_loop3A_389 = vector.broadcast %parallel_loop3A_388 : f32 to vector<16xf32>
      %parallel_loop3A_390 = arith.divf %parallel_loop3A_389, %parallel_loop3A_387 : vector<16xf32>
      %parallel_loop3A_391 = arith.constant 0 : i32
      %parallel_loop3A_392 = arith.index_cast %parallel_loop3A_391 : i32 to index
      %parallel_loop3A_393 = arith.index_cast %parallel_loop3A_236 : i32 to index
      %parallel_loop3A_394 = arith.constant 96 : index
      %parallel_loop3A_395 = tpu.vector_load %arg7[%parallel_loop3A_392, %parallel_loop3A_393, %parallel_loop3A_394] {strides = array<i32>} : memref<2x128x128xf32, #tpu.memory_space<vmem>>, vector<1x1x16xf32>,
      %parallel_loop3A_396 = vector.shape_cast %parallel_loop3A_395 : vector<1x1x16xf32> to vector<16xf32>
      %parallel_loop3A_397 = vector.shape_cast %parallel_loop3A_390 : vector<16xf32> to vector<1x1x16xf32>
      tpu.vector_store %arg7[%parallel_loop3A_392, %parallel_loop3A_393, %parallel_loop3A_394], %parallel_loop3A_397 {strides = array<i32>} : memref<2x128x128xf32, #tpu.memory_space<vmem>>, vector<1x1x16xf32>,
      %parallel_loop3A_398 = arith.constant 256 : i32
      %parallel_loop3A_399 = arith.addi %parallel_loop3A_398, %parallel_loop3A_236 : i32
      %parallel_loop3A_400 = arith.index_cast %parallel_loop3A_399 : i32 to index
      %parallel_loop3A_401 = arith.constant 112 : index
      %parallel_loop3A_402 = tpu.vector_load %arg6[%parallel_loop3A_400, %parallel_loop3A_401] {strides = array<i32>} : memref<512x128xf32, #tpu.memory_space<vmem>>, vector<1x16xf32>,
      %parallel_loop3A_403 = vector.shape_cast %parallel_loop3A_402 : vector<1x16xf32> to vector<16xf32>
      %parallel_loop3A_404 = arith.constant -4.000000e+02 : f32
      %parallel_loop3A_405 = vector.broadcast %parallel_loop3A_404 : f32 to vector<16xf32>
      %parallel_loop3A_406 = arith.mulf %parallel_loop3A_403, %parallel_loop3A_405 : vector<16xf32>
      %parallel_loop3A_407 = math.exp %parallel_loop3A_406 : vector<16xf32>
      %parallel_loop3A_408 = arith.constant 1.000000e+00 : f32
      %parallel_loop3A_409 = vector.broadcast %parallel_loop3A_408 : f32 to vector<16xf32>
      %parallel_loop3A_410 = arith.addf %parallel_loop3A_409, %parallel_loop3A_407 : vector<16xf32>
      %parallel_loop3A_411 = arith.constant 1.000000e+00 : f32
      %parallel_loop3A_412 = vector.broadcast %parallel_loop3A_411 : f32 to vector<16xf32>
      %parallel_loop3A_413 = arith.divf %parallel_loop3A_412, %parallel_loop3A_410 : vector<16xf32>
      %parallel_loop3A_414 = arith.constant 0 : i32
      %parallel_loop3A_415 = arith.index_cast %parallel_loop3A_414 : i32 to index
      %parallel_loop3A_416 = arith.index_cast %parallel_loop3A_236 : i32 to index
      %parallel_loop3A_417 = arith.constant 112 : index
      %parallel_loop3A_418 = tpu.vector_load %arg7[%parallel_loop3A_415, %parallel_loop3A_416, %parallel_loop3A_417] {strides = array<i32>} : memref<2x128x128xf32, #tpu.memory_space<vmem>>, vector<1x1x16xf32>,
      %parallel_loop3A_419 = vector.shape_cast %parallel_loop3A_418 : vector<1x1x16xf32> to vector<16xf32>
      %parallel_loop3A_420 = vector.shape_cast %parallel_loop3A_413 : vector<16xf32> to vector<1x1x16xf32>
      tpu.vector_store %arg7[%parallel_loop3A_415, %parallel_loop3A_416, %parallel_loop3A_417], %parallel_loop3A_420 {strides = array<i32>} : memref<2x128x128xf32, #tpu.memory_space<vmem>>, vector<1x1x16xf32>,
    } {sc.loop_unroll_factor = 1 : i64, sc.parallel_access}
    %add3A_138 = arith.constant 256 : i32
    %add3A_139 = arith.addi %mul3A_2, %add3A_138 : i32
    %dma_start3A_140 = arith.constant 0 : i32
    %dma_start3A_141 = arith.constant 0 : i32
    %dma_start3A_142 = arith.constant 0 : i32
    %dma_start3A_143 = arith.constant 0 : i32
    %dma_start3A_144 = tpu.memref_slice %arg7[%dma_start3A_140, %dma_start3A_142, %dma_start3A_143] : memref<2x128x128xf32, #tpu.memory_space<vmem>> -> memref<1x128x128xf32, #tpu.memory_space<vmem>>
    %dma_start3A_145 = tpu.memref_squeeze %dma_start3A_144 : memref<1x128x128xf32, #tpu.memory_space<vmem>> -> memref<128x128xf32, #tpu.memory_space<vmem>>
    %dma_start3A_146 = arith.constant 0 : i32
    %dma_start3A_147 = tpu.memref_slice %arg4[%add3A_139, %dma_start3A_146] : memref<16384x128xf32, #tpu.memory_space<hbm>> -> memref<128x128xf32, #tpu.memory_space<hbm>>
    %dma_start3A_148 = tpu.memref_slice %arg9[%dma_start3A_141] : memref<2x!tpu.dma_semaphore, #tpu.memory_space<semaphore_mem>> -> memref<1x!tpu.dma_semaphore, #tpu.memory_space<semaphore_mem>>
    %dma_start3A_149 = tpu.memref_squeeze %dma_start3A_148 : memref<1x!tpu.dma_semaphore, #tpu.memory_space<semaphore_mem>> -> memref<!tpu.dma_semaphore, #tpu.memory_space<semaphore_mem>>
    %dma_start3A_150 = arith.constant 0 : i32
    %dma_start3A_151 = tpu.memref_slice %arg4[%add3A_139, %dma_start3A_150] : memref<16384x128xf32, #tpu.memory_space<hbm>> -> memref<128x128xf32, #tpu.memory_space<hbm>>
    %dma_start3A_152 = arith.constant 0 : i32
    %dma_start3A_153 = arith.constant 0 : i32
    %dma_start3A_154 = tpu.memref_slice %arg7[%dma_start3A_140, %dma_start3A_152, %dma_start3A_153] : memref<2x128x128xf32, #tpu.memory_space<vmem>> -> memref<1x128x128xf32, #tpu.memory_space<vmem>>
    %dma_start3A_155 = tpu.memref_squeeze %dma_start3A_154 : memref<1x128x128xf32, #tpu.memory_space<vmem>> -> memref<128x128xf32, #tpu.memory_space<vmem>>
    tpu.enqueue_dma source(%dma_start3A_155 : memref<128x128xf32, #tpu.memory_space<vmem>>) target(%dma_start3A_151 : memref<128x128xf32, #tpu.memory_space<hbm>>) target_semaphore(%dma_start3A_149 : memref<!tpu.dma_semaphore, #tpu.memory_space<semaphore_mem>>)
    %dma_wait3A_156 = arith.constant 3 : i32
    %dma_wait3A_157 = arith.constant 384 : i32
    %dma_wait3A_158 = arith.constant 0 : i32
    %dma_wait3A_159 = tpu.memref_slice %arg6[%dma_wait3A_157, %dma_wait3A_158] : memref<512x128xf32, #tpu.memory_space<vmem>> -> memref<128x128xf32, #tpu.memory_space<vmem>>
    %dma_wait3A_160 = arith.constant 384 : i32
    %dma_wait3A_161 = tpu.memref_slice %arg5[%dma_wait3A_160] : memref<512xi32, #tpu.memory_space<vmem>> -> memref<128xi32, #tpu.memory_space<vmem>>
    %dma_wait3A_162 = arith.constant 0 : i32
    %dma_wait3A_163 = arith.constant 0 : i32
    %dma_wait3A_164 = tpu.memref_slice %arg3[%dma_wait3A_162, %dma_wait3A_163] : memref<100000x128xf32, #tpu.memory_space<hbm>> -> memref<100000x128xf32, #tpu.memory_space<hbm>>
    %dma_wait3A_165 = tpu.memref_slice %arg8[%dma_wait3A_156] : memref<4x!tpu.dma_semaphore, #tpu.memory_space<semaphore_mem>> -> memref<1x!tpu.dma_semaphore, #tpu.memory_space<semaphore_mem>>
    %dma_wait3A_166 = tpu.memref_squeeze %dma_wait3A_165 : memref<1x!tpu.dma_semaphore, #tpu.memory_space<semaphore_mem>> -> memref<!tpu.dma_semaphore, #tpu.memory_space<semaphore_mem>>
    tpu.wait_indirect_dma semaphore(%dma_wait3A_166 : memref<!tpu.dma_semaphore, #tpu.memory_space<semaphore_mem>>) src(%dma_wait3A_164 : memref<100000x128xf32, #tpu.memory_space<hbm>>) dst(%dma_wait3A_159 : memref<128x128xf32, #tpu.memory_space<vmem>>)
    %dma_wait3A_167 = arith.constant 1 : i32
    %dma_wait3A_168 = arith.constant 1 : i32
    %dma_wait3A_169 = arith.constant 0 : i32
    %dma_wait3A_170 = arith.constant 0 : i32
    %dma_wait3A_171 = tpu.memref_slice %arg7[%dma_wait3A_167, %dma_wait3A_169, %dma_wait3A_170] : memref<2x128x128xf32, #tpu.memory_space<vmem>> -> memref<1x128x128xf32, #tpu.memory_space<vmem>>
    %dma_wait3A_172 = tpu.memref_squeeze %dma_wait3A_171 : memref<1x128x128xf32, #tpu.memory_space<vmem>> -> memref<128x128xf32, #tpu.memory_space<vmem>>
    %dma_wait3A_173 = arith.constant 0 : i32
    %dma_wait3A_174 = tpu.memref_slice %arg4[%add3A_91, %dma_wait3A_173] : memref<16384x128xf32, #tpu.memory_space<hbm>> -> memref<128x128xf32, #tpu.memory_space<hbm>>
    %dma_wait3A_175 = tpu.memref_slice %arg9[%dma_wait3A_168] : memref<2x!tpu.dma_semaphore, #tpu.memory_space<semaphore_mem>> -> memref<1x!tpu.dma_semaphore, #tpu.memory_space<semaphore_mem>>
    %dma_wait3A_176 = tpu.memref_squeeze %dma_wait3A_175 : memref<1x!tpu.dma_semaphore, #tpu.memory_space<semaphore_mem>> -> memref<!tpu.dma_semaphore, #tpu.memory_space<semaphore_mem>>
    %dma_wait3A_177 = arith.constant 0 : i32
    %dma_wait3A_178 = tpu.memref_slice %arg4[%add3A_91, %dma_wait3A_177] : memref<16384x128xf32, #tpu.memory_space<hbm>> -> memref<128x128xf32, #tpu.memory_space<hbm>>
    %dma_wait3A_179 = arith.constant 0 : i32
    %dma_wait3A_180 = arith.constant 0 : i32
    %dma_wait3A_181 = tpu.memref_slice %arg7[%dma_wait3A_167, %dma_wait3A_179, %dma_wait3A_180] : memref<2x128x128xf32, #tpu.memory_space<vmem>> -> memref<1x128x128xf32, #tpu.memory_space<vmem>>
    %dma_wait3A_182 = tpu.memref_squeeze %dma_wait3A_181 : memref<1x128x128xf32, #tpu.memory_space<vmem>> -> memref<128x128xf32, #tpu.memory_space<vmem>>
    tpu.wait_dma2 semaphore(%dma_wait3A_176 : memref<!tpu.dma_semaphore, #tpu.memory_space<semaphore_mem>>) src(%dma_wait3A_182 : memref<128x128xf32, #tpu.memory_space<vmem>>) dst(%dma_wait3A_178 : memref<128x128xf32, #tpu.memory_space<hbm>>)
    %parallel_loop3A_183 = arith.constant 0 : i32
    %parallel_loop3A_184 = arith.constant 128 : i32
    %parallel_loop3A_185 = arith.constant 1 : i32
    scf.for %parallel_loop3A_236 = %parallel_loop3A_183 to %parallel_loop3A_184 step %parallel_loop3A_185  : i32 {
      %parallel_loop3A_237 = arith.constant 384 : i32
      %parallel_loop3A_238 = arith.addi %parallel_loop3A_237, %parallel_loop3A_236 : i32
      %parallel_loop3A_239 = arith.index_cast %parallel_loop3A_238 : i32 to index
      %parallel_loop3A_240 = arith.constant 0 : index
      %parallel_loop3A_241 = tpu.vector_load %arg6[%parallel_loop3A_239, %parallel_loop3A_240] {strides = array<i32>} : memref<512x128xf32, #tpu.memory_space<vmem>>, vector<1x16xf32>,
      %parallel_loop3A_242 = vector.shape_cast %parallel_loop3A_241 : vector<1x16xf32> to vector<16xf32>
      %parallel_loop3A_243 = arith.constant -4.000000e+02 : f32
      %parallel_loop3A_244 = vector.broadcast %parallel_loop3A_243 : f32 to vector<16xf32>
      %parallel_loop3A_245 = arith.mulf %parallel_loop3A_242, %parallel_loop3A_244 : vector<16xf32>
      %parallel_loop3A_246 = math.exp %parallel_loop3A_245 : vector<16xf32>
      %parallel_loop3A_247 = arith.constant 1.000000e+00 : f32
      %parallel_loop3A_248 = vector.broadcast %parallel_loop3A_247 : f32 to vector<16xf32>
      %parallel_loop3A_249 = arith.addf %parallel_loop3A_248, %parallel_loop3A_246 : vector<16xf32>
      %parallel_loop3A_250 = arith.constant 1.000000e+00 : f32
      %parallel_loop3A_251 = vector.broadcast %parallel_loop3A_250 : f32 to vector<16xf32>
      %parallel_loop3A_252 = arith.divf %parallel_loop3A_251, %parallel_loop3A_249 : vector<16xf32>
      %parallel_loop3A_253 = arith.constant 1 : i32
      %parallel_loop3A_254 = arith.index_cast %parallel_loop3A_253 : i32 to index
      %parallel_loop3A_255 = arith.index_cast %parallel_loop3A_236 : i32 to index
      %parallel_loop3A_256 = arith.constant 0 : index
      %parallel_loop3A_257 = tpu.vector_load %arg7[%parallel_loop3A_254, %parallel_loop3A_255, %parallel_loop3A_256] {strides = array<i32>} : memref<2x128x128xf32, #tpu.memory_space<vmem>>, vector<1x1x16xf32>,
      %parallel_loop3A_258 = vector.shape_cast %parallel_loop3A_257 : vector<1x1x16xf32> to vector<16xf32>
      %parallel_loop3A_259 = vector.shape_cast %parallel_loop3A_252 : vector<16xf32> to vector<1x1x16xf32>
      tpu.vector_store %arg7[%parallel_loop3A_254, %parallel_loop3A_255, %parallel_loop3A_256], %parallel_loop3A_259 {strides = array<i32>} : memref<2x128x128xf32, #tpu.memory_space<vmem>>, vector<1x1x16xf32>,
      %parallel_loop3A_260 = arith.constant 384 : i32
      %parallel_loop3A_261 = arith.addi %parallel_loop3A_260, %parallel_loop3A_236 : i32
      %parallel_loop3A_262 = arith.index_cast %parallel_loop3A_261 : i32 to index
      %parallel_loop3A_263 = arith.constant 16 : index
      %parallel_loop3A_264 = tpu.vector_load %arg6[%parallel_loop3A_262, %parallel_loop3A_263] {strides = array<i32>} : memref<512x128xf32, #tpu.memory_space<vmem>>, vector<1x16xf32>,
      %parallel_loop3A_265 = vector.shape_cast %parallel_loop3A_264 : vector<1x16xf32> to vector<16xf32>
      %parallel_loop3A_266 = arith.constant -4.000000e+02 : f32
      %parallel_loop3A_267 = vector.broadcast %parallel_loop3A_266 : f32 to vector<16xf32>
      %parallel_loop3A_268 = arith.mulf %parallel_loop3A_265, %parallel_loop3A_267 : vector<16xf32>
      %parallel_loop3A_269 = math.exp %parallel_loop3A_268 : vector<16xf32>
      %parallel_loop3A_270 = arith.constant 1.000000e+00 : f32
      %parallel_loop3A_271 = vector.broadcast %parallel_loop3A_270 : f32 to vector<16xf32>
      %parallel_loop3A_272 = arith.addf %parallel_loop3A_271, %parallel_loop3A_269 : vector<16xf32>
      %parallel_loop3A_273 = arith.constant 1.000000e+00 : f32
      %parallel_loop3A_274 = vector.broadcast %parallel_loop3A_273 : f32 to vector<16xf32>
      %parallel_loop3A_275 = arith.divf %parallel_loop3A_274, %parallel_loop3A_272 : vector<16xf32>
      %parallel_loop3A_276 = arith.constant 1 : i32
      %parallel_loop3A_277 = arith.index_cast %parallel_loop3A_276 : i32 to index
      %parallel_loop3A_278 = arith.index_cast %parallel_loop3A_236 : i32 to index
      %parallel_loop3A_279 = arith.constant 16 : index
      %parallel_loop3A_280 = tpu.vector_load %arg7[%parallel_loop3A_277, %parallel_loop3A_278, %parallel_loop3A_279] {strides = array<i32>} : memref<2x128x128xf32, #tpu.memory_space<vmem>>, vector<1x1x16xf32>,
      %parallel_loop3A_281 = vector.shape_cast %parallel_loop3A_280 : vector<1x1x16xf32> to vector<16xf32>
      %parallel_loop3A_282 = vector.shape_cast %parallel_loop3A_275 : vector<16xf32> to vector<1x1x16xf32>
      tpu.vector_store %arg7[%parallel_loop3A_277, %parallel_loop3A_278, %parallel_loop3A_279], %parallel_loop3A_282 {strides = array<i32>} : memref<2x128x128xf32, #tpu.memory_space<vmem>>, vector<1x1x16xf32>,
      %parallel_loop3A_283 = arith.constant 384 : i32
      %parallel_loop3A_284 = arith.addi %parallel_loop3A_283, %parallel_loop3A_236 : i32
      %parallel_loop3A_285 = arith.index_cast %parallel_loop3A_284 : i32 to index
      %parallel_loop3A_286 = arith.constant 32 : index
      %parallel_loop3A_287 = tpu.vector_load %arg6[%parallel_loop3A_285, %parallel_loop3A_286] {strides = array<i32>} : memref<512x128xf32, #tpu.memory_space<vmem>>, vector<1x16xf32>,
      %parallel_loop3A_288 = vector.shape_cast %parallel_loop3A_287 : vector<1x16xf32> to vector<16xf32>
      %parallel_loop3A_289 = arith.constant -4.000000e+02 : f32
      %parallel_loop3A_290 = vector.broadcast %parallel_loop3A_289 : f32 to vector<16xf32>
      %parallel_loop3A_291 = arith.mulf %parallel_loop3A_288, %parallel_loop3A_290 : vector<16xf32>
      %parallel_loop3A_292 = math.exp %parallel_loop3A_291 : vector<16xf32>
      %parallel_loop3A_293 = arith.constant 1.000000e+00 : f32
      %parallel_loop3A_294 = vector.broadcast %parallel_loop3A_293 : f32 to vector<16xf32>
      %parallel_loop3A_295 = arith.addf %parallel_loop3A_294, %parallel_loop3A_292 : vector<16xf32>
      %parallel_loop3A_296 = arith.constant 1.000000e+00 : f32
      %parallel_loop3A_297 = vector.broadcast %parallel_loop3A_296 : f32 to vector<16xf32>
      %parallel_loop3A_298 = arith.divf %parallel_loop3A_297, %parallel_loop3A_295 : vector<16xf32>
      %parallel_loop3A_299 = arith.constant 1 : i32
      %parallel_loop3A_300 = arith.index_cast %parallel_loop3A_299 : i32 to index
      %parallel_loop3A_301 = arith.index_cast %parallel_loop3A_236 : i32 to index
      %parallel_loop3A_302 = arith.constant 32 : index
      %parallel_loop3A_303 = tpu.vector_load %arg7[%parallel_loop3A_300, %parallel_loop3A_301, %parallel_loop3A_302] {strides = array<i32>} : memref<2x128x128xf32, #tpu.memory_space<vmem>>, vector<1x1x16xf32>,
      %parallel_loop3A_304 = vector.shape_cast %parallel_loop3A_303 : vector<1x1x16xf32> to vector<16xf32>
      %parallel_loop3A_305 = vector.shape_cast %parallel_loop3A_298 : vector<16xf32> to vector<1x1x16xf32>
      tpu.vector_store %arg7[%parallel_loop3A_300, %parallel_loop3A_301, %parallel_loop3A_302], %parallel_loop3A_305 {strides = array<i32>} : memref<2x128x128xf32, #tpu.memory_space<vmem>>, vector<1x1x16xf32>,
      %parallel_loop3A_306 = arith.constant 384 : i32
      %parallel_loop3A_307 = arith.addi %parallel_loop3A_306, %parallel_loop3A_236 : i32
      %parallel_loop3A_308 = arith.index_cast %parallel_loop3A_307 : i32 to index
      %parallel_loop3A_309 = arith.constant 48 : index
      %parallel_loop3A_310 = tpu.vector_load %arg6[%parallel_loop3A_308, %parallel_loop3A_309] {strides = array<i32>} : memref<512x128xf32, #tpu.memory_space<vmem>>, vector<1x16xf32>,
      %parallel_loop3A_311 = vector.shape_cast %parallel_loop3A_310 : vector<1x16xf32> to vector<16xf32>
      %parallel_loop3A_312 = arith.constant -4.000000e+02 : f32
      %parallel_loop3A_313 = vector.broadcast %parallel_loop3A_312 : f32 to vector<16xf32>
      %parallel_loop3A_314 = arith.mulf %parallel_loop3A_311, %parallel_loop3A_313 : vector<16xf32>
      %parallel_loop3A_315 = math.exp %parallel_loop3A_314 : vector<16xf32>
      %parallel_loop3A_316 = arith.constant 1.000000e+00 : f32
      %parallel_loop3A_317 = vector.broadcast %parallel_loop3A_316 : f32 to vector<16xf32>
      %parallel_loop3A_318 = arith.addf %parallel_loop3A_317, %parallel_loop3A_315 : vector<16xf32>
      %parallel_loop3A_319 = arith.constant 1.000000e+00 : f32
      %parallel_loop3A_320 = vector.broadcast %parallel_loop3A_319 : f32 to vector<16xf32>
      %parallel_loop3A_321 = arith.divf %parallel_loop3A_320, %parallel_loop3A_318 : vector<16xf32>
      %parallel_loop3A_322 = arith.constant 1 : i32
      %parallel_loop3A_323 = arith.index_cast %parallel_loop3A_322 : i32 to index
      %parallel_loop3A_324 = arith.index_cast %parallel_loop3A_236 : i32 to index
      %parallel_loop3A_325 = arith.constant 48 : index
      %parallel_loop3A_326 = tpu.vector_load %arg7[%parallel_loop3A_323, %parallel_loop3A_324, %parallel_loop3A_325] {strides = array<i32>} : memref<2x128x128xf32, #tpu.memory_space<vmem>>, vector<1x1x16xf32>,
      %parallel_loop3A_327 = vector.shape_cast %parallel_loop3A_326 : vector<1x1x16xf32> to vector<16xf32>
      %parallel_loop3A_328 = vector.shape_cast %parallel_loop3A_321 : vector<16xf32> to vector<1x1x16xf32>
      tpu.vector_store %arg7[%parallel_loop3A_323, %parallel_loop3A_324, %parallel_loop3A_325], %parallel_loop3A_328 {strides = array<i32>} : memref<2x128x128xf32, #tpu.memory_space<vmem>>, vector<1x1x16xf32>,
      %parallel_loop3A_329 = arith.constant 384 : i32
      %parallel_loop3A_330 = arith.addi %parallel_loop3A_329, %parallel_loop3A_236 : i32
      %parallel_loop3A_331 = arith.index_cast %parallel_loop3A_330 : i32 to index
      %parallel_loop3A_332 = arith.constant 64 : index
      %parallel_loop3A_333 = tpu.vector_load %arg6[%parallel_loop3A_331, %parallel_loop3A_332] {strides = array<i32>} : memref<512x128xf32, #tpu.memory_space<vmem>>, vector<1x16xf32>,
      %parallel_loop3A_334 = vector.shape_cast %parallel_loop3A_333 : vector<1x16xf32> to vector<16xf32>
      %parallel_loop3A_335 = arith.constant -4.000000e+02 : f32
      %parallel_loop3A_336 = vector.broadcast %parallel_loop3A_335 : f32 to vector<16xf32>
      %parallel_loop3A_337 = arith.mulf %parallel_loop3A_334, %parallel_loop3A_336 : vector<16xf32>
      %parallel_loop3A_338 = math.exp %parallel_loop3A_337 : vector<16xf32>
      %parallel_loop3A_339 = arith.constant 1.000000e+00 : f32
      %parallel_loop3A_340 = vector.broadcast %parallel_loop3A_339 : f32 to vector<16xf32>
      %parallel_loop3A_341 = arith.addf %parallel_loop3A_340, %parallel_loop3A_338 : vector<16xf32>
      %parallel_loop3A_342 = arith.constant 1.000000e+00 : f32
      %parallel_loop3A_343 = vector.broadcast %parallel_loop3A_342 : f32 to vector<16xf32>
      %parallel_loop3A_344 = arith.divf %parallel_loop3A_343, %parallel_loop3A_341 : vector<16xf32>
      %parallel_loop3A_345 = arith.constant 1 : i32
      %parallel_loop3A_346 = arith.index_cast %parallel_loop3A_345 : i32 to index
      %parallel_loop3A_347 = arith.index_cast %parallel_loop3A_236 : i32 to index
      %parallel_loop3A_348 = arith.constant 64 : index
      %parallel_loop3A_349 = tpu.vector_load %arg7[%parallel_loop3A_346, %parallel_loop3A_347, %parallel_loop3A_348] {strides = array<i32>} : memref<2x128x128xf32, #tpu.memory_space<vmem>>, vector<1x1x16xf32>,
      %parallel_loop3A_350 = vector.shape_cast %parallel_loop3A_349 : vector<1x1x16xf32> to vector<16xf32>
      %parallel_loop3A_351 = vector.shape_cast %parallel_loop3A_344 : vector<16xf32> to vector<1x1x16xf32>
      tpu.vector_store %arg7[%parallel_loop3A_346, %parallel_loop3A_347, %parallel_loop3A_348], %parallel_loop3A_351 {strides = array<i32>} : memref<2x128x128xf32, #tpu.memory_space<vmem>>, vector<1x1x16xf32>,
      %parallel_loop3A_352 = arith.constant 384 : i32
      %parallel_loop3A_353 = arith.addi %parallel_loop3A_352, %parallel_loop3A_236 : i32
      %parallel_loop3A_354 = arith.index_cast %parallel_loop3A_353 : i32 to index
      %parallel_loop3A_355 = arith.constant 80 : index
      %parallel_loop3A_356 = tpu.vector_load %arg6[%parallel_loop3A_354, %parallel_loop3A_355] {strides = array<i32>} : memref<512x128xf32, #tpu.memory_space<vmem>>, vector<1x16xf32>,
      %parallel_loop3A_357 = vector.shape_cast %parallel_loop3A_356 : vector<1x16xf32> to vector<16xf32>
      %parallel_loop3A_358 = arith.constant -4.000000e+02 : f32
      %parallel_loop3A_359 = vector.broadcast %parallel_loop3A_358 : f32 to vector<16xf32>
      %parallel_loop3A_360 = arith.mulf %parallel_loop3A_357, %parallel_loop3A_359 : vector<16xf32>
      %parallel_loop3A_361 = math.exp %parallel_loop3A_360 : vector<16xf32>
      %parallel_loop3A_362 = arith.constant 1.000000e+00 : f32
      %parallel_loop3A_363 = vector.broadcast %parallel_loop3A_362 : f32 to vector<16xf32>
      %parallel_loop3A_364 = arith.addf %parallel_loop3A_363, %parallel_loop3A_361 : vector<16xf32>
      %parallel_loop3A_365 = arith.constant 1.000000e+00 : f32
      %parallel_loop3A_366 = vector.broadcast %parallel_loop3A_365 : f32 to vector<16xf32>
      %parallel_loop3A_367 = arith.divf %parallel_loop3A_366, %parallel_loop3A_364 : vector<16xf32>
      %parallel_loop3A_368 = arith.constant 1 : i32
      %parallel_loop3A_369 = arith.index_cast %parallel_loop3A_368 : i32 to index
      %parallel_loop3A_370 = arith.index_cast %parallel_loop3A_236 : i32 to index
      %parallel_loop3A_371 = arith.constant 80 : index
      %parallel_loop3A_372 = tpu.vector_load %arg7[%parallel_loop3A_369, %parallel_loop3A_370, %parallel_loop3A_371] {strides = array<i32>} : memref<2x128x128xf32, #tpu.memory_space<vmem>>, vector<1x1x16xf32>,
      %parallel_loop3A_373 = vector.shape_cast %parallel_loop3A_372 : vector<1x1x16xf32> to vector<16xf32>
      %parallel_loop3A_374 = vector.shape_cast %parallel_loop3A_367 : vector<16xf32> to vector<1x1x16xf32>
      tpu.vector_store %arg7[%parallel_loop3A_369, %parallel_loop3A_370, %parallel_loop3A_371], %parallel_loop3A_374 {strides = array<i32>} : memref<2x128x128xf32, #tpu.memory_space<vmem>>, vector<1x1x16xf32>,
      %parallel_loop3A_375 = arith.constant 384 : i32
      %parallel_loop3A_376 = arith.addi %parallel_loop3A_375, %parallel_loop3A_236 : i32
      %parallel_loop3A_377 = arith.index_cast %parallel_loop3A_376 : i32 to index
      %parallel_loop3A_378 = arith.constant 96 : index
      %parallel_loop3A_379 = tpu.vector_load %arg6[%parallel_loop3A_377, %parallel_loop3A_378] {strides = array<i32>} : memref<512x128xf32, #tpu.memory_space<vmem>>, vector<1x16xf32>,
      %parallel_loop3A_380 = vector.shape_cast %parallel_loop3A_379 : vector<1x16xf32> to vector<16xf32>
      %parallel_loop3A_381 = arith.constant -4.000000e+02 : f32
      %parallel_loop3A_382 = vector.broadcast %parallel_loop3A_381 : f32 to vector<16xf32>
      %parallel_loop3A_383 = arith.mulf %parallel_loop3A_380, %parallel_loop3A_382 : vector<16xf32>
      %parallel_loop3A_384 = math.exp %parallel_loop3A_383 : vector<16xf32>
      %parallel_loop3A_385 = arith.constant 1.000000e+00 : f32
      %parallel_loop3A_386 = vector.broadcast %parallel_loop3A_385 : f32 to vector<16xf32>
      %parallel_loop3A_387 = arith.addf %parallel_loop3A_386, %parallel_loop3A_384 : vector<16xf32>
      %parallel_loop3A_388 = arith.constant 1.000000e+00 : f32
      %parallel_loop3A_389 = vector.broadcast %parallel_loop3A_388 : f32 to vector<16xf32>
      %parallel_loop3A_390 = arith.divf %parallel_loop3A_389, %parallel_loop3A_387 : vector<16xf32>
      %parallel_loop3A_391 = arith.constant 1 : i32
      %parallel_loop3A_392 = arith.index_cast %parallel_loop3A_391 : i32 to index
      %parallel_loop3A_393 = arith.index_cast %parallel_loop3A_236 : i32 to index
      %parallel_loop3A_394 = arith.constant 96 : index
      %parallel_loop3A_395 = tpu.vector_load %arg7[%parallel_loop3A_392, %parallel_loop3A_393, %parallel_loop3A_394] {strides = array<i32>} : memref<2x128x128xf32, #tpu.memory_space<vmem>>, vector<1x1x16xf32>,
      %parallel_loop3A_396 = vector.shape_cast %parallel_loop3A_395 : vector<1x1x16xf32> to vector<16xf32>
      %parallel_loop3A_397 = vector.shape_cast %parallel_loop3A_390 : vector<16xf32> to vector<1x1x16xf32>
      tpu.vector_store %arg7[%parallel_loop3A_392, %parallel_loop3A_393, %parallel_loop3A_394], %parallel_loop3A_397 {strides = array<i32>} : memref<2x128x128xf32, #tpu.memory_space<vmem>>, vector<1x1x16xf32>,
      %parallel_loop3A_398 = arith.constant 384 : i32
      %parallel_loop3A_399 = arith.addi %parallel_loop3A_398, %parallel_loop3A_236 : i32
      %parallel_loop3A_400 = arith.index_cast %parallel_loop3A_399 : i32 to index
      %parallel_loop3A_401 = arith.constant 112 : index
      %parallel_loop3A_402 = tpu.vector_load %arg6[%parallel_loop3A_400, %parallel_loop3A_401] {strides = array<i32>} : memref<512x128xf32, #tpu.memory_space<vmem>>, vector<1x16xf32>,
      %parallel_loop3A_403 = vector.shape_cast %parallel_loop3A_402 : vector<1x16xf32> to vector<16xf32>
      %parallel_loop3A_404 = arith.constant -4.000000e+02 : f32
      %parallel_loop3A_405 = vector.broadcast %parallel_loop3A_404 : f32 to vector<16xf32>
      %parallel_loop3A_406 = arith.mulf %parallel_loop3A_403, %parallel_loop3A_405 : vector<16xf32>
      %parallel_loop3A_407 = math.exp %parallel_loop3A_406 : vector<16xf32>
      %parallel_loop3A_408 = arith.constant 1.000000e+00 : f32
      %parallel_loop3A_409 = vector.broadcast %parallel_loop3A_408 : f32 to vector<16xf32>
      %parallel_loop3A_410 = arith.addf %parallel_loop3A_409, %parallel_loop3A_407 : vector<16xf32>
      %parallel_loop3A_411 = arith.constant 1.000000e+00 : f32
      %parallel_loop3A_412 = vector.broadcast %parallel_loop3A_411 : f32 to vector<16xf32>
      %parallel_loop3A_413 = arith.divf %parallel_loop3A_412, %parallel_loop3A_410 : vector<16xf32>
      %parallel_loop3A_414 = arith.constant 1 : i32
      %parallel_loop3A_415 = arith.index_cast %parallel_loop3A_414 : i32 to index
      %parallel_loop3A_416 = arith.index_cast %parallel_loop3A_236 : i32 to index
      %parallel_loop3A_417 = arith.constant 112 : index
      %parallel_loop3A_418 = tpu.vector_load %arg7[%parallel_loop3A_415, %parallel_loop3A_416, %parallel_loop3A_417] {strides = array<i32>} : memref<2x128x128xf32, #tpu.memory_space<vmem>>, vector<1x1x16xf32>,
      %parallel_loop3A_419 = vector.shape_cast %parallel_loop3A_418 : vector<1x1x16xf32> to vector<16xf32>
      %parallel_loop3A_420 = vector.shape_cast %parallel_loop3A_413 : vector<16xf32> to vector<1x1x16xf32>
      tpu.vector_store %arg7[%parallel_loop3A_415, %parallel_loop3A_416, %parallel_loop3A_417], %parallel_loop3A_420 {strides = array<i32>} : memref<2x128x128xf32, #tpu.memory_space<vmem>>, vector<1x1x16xf32>,
    } {sc.loop_unroll_factor = 1 : i64, sc.parallel_access}
    %add3A_186 = arith.constant 384 : i32
    %add3A_187 = arith.addi %mul3A_2, %add3A_186 : i32
    %dma_start3A_188 = arith.constant 1 : i32
    %dma_start3A_189 = arith.constant 1 : i32
    %dma_start3A_190 = arith.constant 0 : i32
    %dma_start3A_191 = arith.constant 0 : i32
    %dma_start3A_192 = tpu.memref_slice %arg7[%dma_start3A_188, %dma_start3A_190, %dma_start3A_191] : memref<2x128x128xf32, #tpu.memory_space<vmem>> -> memref<1x128x128xf32, #tpu.memory_space<vmem>>
    %dma_start3A_193 = tpu.memref_squeeze %dma_start3A_192 : memref<1x128x128xf32, #tpu.memory_space<vmem>> -> memref<128x128xf32, #tpu.memory_space<vmem>>
    %dma_start3A_194 = arith.constant 0 : i32
    %dma_start3A_195 = tpu.memref_slice %arg4[%add3A_187, %dma_start3A_194] : memref<16384x128xf32, #tpu.memory_space<hbm>> -> memref<128x128xf32, #tpu.memory_space<hbm>>
    %dma_start3A_196 = tpu.memref_slice %arg9[%dma_start3A_189] : memref<2x!tpu.dma_semaphore, #tpu.memory_space<semaphore_mem>> -> memref<1x!tpu.dma_semaphore, #tpu.memory_space<semaphore_mem>>
    %dma_start3A_197 = tpu.memref_squeeze %dma_start3A_196 : memref<1x!tpu.dma_semaphore, #tpu.memory_space<semaphore_mem>> -> memref<!tpu.dma_semaphore, #tpu.memory_space<semaphore_mem>>
    %dma_start3A_198 = arith.constant 0 : i32
    %dma_start3A_199 = tpu.memref_slice %arg4[%add3A_187, %dma_start3A_198] : memref<16384x128xf32, #tpu.memory_space<hbm>> -> memref<128x128xf32, #tpu.memory_space<hbm>>
    %dma_start3A_200 = arith.constant 0 : i32
    %dma_start3A_201 = arith.constant 0 : i32
    %dma_start3A_202 = tpu.memref_slice %arg7[%dma_start3A_188, %dma_start3A_200, %dma_start3A_201] : memref<2x128x128xf32, #tpu.memory_space<vmem>> -> memref<1x128x128xf32, #tpu.memory_space<vmem>>
    %dma_start3A_203 = tpu.memref_squeeze %dma_start3A_202 : memref<1x128x128xf32, #tpu.memory_space<vmem>> -> memref<128x128xf32, #tpu.memory_space<vmem>>
    tpu.enqueue_dma source(%dma_start3A_203 : memref<128x128xf32, #tpu.memory_space<vmem>>) target(%dma_start3A_199 : memref<128x128xf32, #tpu.memory_space<hbm>>) target_semaphore(%dma_start3A_197 : memref<!tpu.dma_semaphore, #tpu.memory_space<semaphore_mem>>)
    %dma_wait3A_204 = arith.constant 0 : i32
    %dma_wait3A_205 = arith.constant 0 : i32
    %dma_wait3A_206 = arith.constant 0 : i32
    %dma_wait3A_207 = arith.constant 0 : i32
    %dma_wait3A_208 = tpu.memref_slice %arg7[%dma_wait3A_204, %dma_wait3A_206, %dma_wait3A_207] : memref<2x128x128xf32, #tpu.memory_space<vmem>> -> memref<1x128x128xf32, #tpu.memory_space<vmem>>
    %dma_wait3A_209 = tpu.memref_squeeze %dma_wait3A_208 : memref<1x128x128xf32, #tpu.memory_space<vmem>> -> memref<128x128xf32, #tpu.memory_space<vmem>>
    %dma_wait3A_210 = arith.constant 0 : i32
    %dma_wait3A_211 = tpu.memref_slice %arg4[%add3A_139, %dma_wait3A_210] : memref<16384x128xf32, #tpu.memory_space<hbm>> -> memref<128x128xf32, #tpu.memory_space<hbm>>
    %dma_wait3A_212 = tpu.memref_slice %arg9[%dma_wait3A_205] : memref<2x!tpu.dma_semaphore, #tpu.memory_space<semaphore_mem>> -> memref<1x!tpu.dma_semaphore, #tpu.memory_space<semaphore_mem>>
    %dma_wait3A_213 = tpu.memref_squeeze %dma_wait3A_212 : memref<1x!tpu.dma_semaphore, #tpu.memory_space<semaphore_mem>> -> memref<!tpu.dma_semaphore, #tpu.memory_space<semaphore_mem>>
    %dma_wait3A_214 = arith.constant 0 : i32
    %dma_wait3A_215 = tpu.memref_slice %arg4[%add3A_139, %dma_wait3A_214] : memref<16384x128xf32, #tpu.memory_space<hbm>> -> memref<128x128xf32, #tpu.memory_space<hbm>>
    %dma_wait3A_216 = arith.constant 0 : i32
    %dma_wait3A_217 = arith.constant 0 : i32
    %dma_wait3A_218 = tpu.memref_slice %arg7[%dma_wait3A_204, %dma_wait3A_216, %dma_wait3A_217] : memref<2x128x128xf32, #tpu.memory_space<vmem>> -> memref<1x128x128xf32, #tpu.memory_space<vmem>>
    %dma_wait3A_219 = tpu.memref_squeeze %dma_wait3A_218 : memref<1x128x128xf32, #tpu.memory_space<vmem>> -> memref<128x128xf32, #tpu.memory_space<vmem>>
    tpu.wait_dma2 semaphore(%dma_wait3A_213 : memref<!tpu.dma_semaphore, #tpu.memory_space<semaphore_mem>>) src(%dma_wait3A_219 : memref<128x128xf32, #tpu.memory_space<vmem>>) dst(%dma_wait3A_215 : memref<128x128xf32, #tpu.memory_space<hbm>>)
    %dma_wait3A_220 = arith.constant 1 : i32
    %dma_wait3A_221 = arith.constant 1 : i32
    %dma_wait3A_222 = arith.constant 0 : i32
    %dma_wait3A_223 = arith.constant 0 : i32
    %dma_wait3A_224 = tpu.memref_slice %arg7[%dma_wait3A_220, %dma_wait3A_222, %dma_wait3A_223] : memref<2x128x128xf32, #tpu.memory_space<vmem>> -> memref<1x128x128xf32, #tpu.memory_space<vmem>>
    %dma_wait3A_225 = tpu.memref_squeeze %dma_wait3A_224 : memref<1x128x128xf32, #tpu.memory_space<vmem>> -> memref<128x128xf32, #tpu.memory_space<vmem>>
    %dma_wait3A_226 = arith.constant 0 : i32
    %dma_wait3A_227 = tpu.memref_slice %arg4[%add3A_187, %dma_wait3A_226] : memref<16384x128xf32, #tpu.memory_space<hbm>> -> memref<128x128xf32, #tpu.memory_space<hbm>>
    %dma_wait3A_228 = tpu.memref_slice %arg9[%dma_wait3A_221] : memref<2x!tpu.dma_semaphore, #tpu.memory_space<semaphore_mem>> -> memref<1x!tpu.dma_semaphore, #tpu.memory_space<semaphore_mem>>
    %dma_wait3A_229 = tpu.memref_squeeze %dma_wait3A_228 : memref<1x!tpu.dma_semaphore, #tpu.memory_space<semaphore_mem>> -> memref<!tpu.dma_semaphore, #tpu.memory_space<semaphore_mem>>
    %dma_wait3A_230 = arith.constant 0 : i32
    %dma_wait3A_231 = tpu.memref_slice %arg4[%add3A_187, %dma_wait3A_230] : memref<16384x128xf32, #tpu.memory_space<hbm>> -> memref<128x128xf32, #tpu.memory_space<hbm>>
    %dma_wait3A_232 = arith.constant 0 : i32
    %dma_wait3A_233 = arith.constant 0 : i32
    %dma_wait3A_234 = tpu.memref_slice %arg7[%dma_wait3A_220, %dma_wait3A_232, %dma_wait3A_233] : memref<2x128x128xf32, #tpu.memory_space<vmem>> -> memref<1x128x128xf32, #tpu.memory_space<vmem>>
    %dma_wait3A_235 = tpu.memref_squeeze %dma_wait3A_234 : memref<1x128x128xf32, #tpu.memory_space<vmem>> -> memref<128x128xf32, #tpu.memory_space<vmem>>
    tpu.wait_dma2 semaphore(%dma_wait3A_229 : memref<!tpu.dma_semaphore, #tpu.memory_space<semaphore_mem>>) src(%dma_wait3A_235 : memref<128x128xf32, #tpu.memory_space<vmem>>) dst(%dma_wait3A_231 : memref<128x128xf32, #tpu.memory_space<hbm>>)
    return
  }
}

</mosaic_0001>

<sc_bundles>
// kernel: _hatmask.3.cloned.1.call-start
scs
__scs_entry_jumppad:
0x0: {  	(pc) =	sbr.rel $0x88, $3  }
0x1: {  	(tag) =	ssettag $0x0;
	lr =	simm.s32 $0x1  }
0x2: {  	[smem:$0x3F9F] =	sst lr;
	_ =	strace $0xD0000000  }
0x3: {  	_ = 	snop  }
0x4: {  	_ = 	snop  }
0x5: {  	_ = 	snop  }
0x6: {  	_ = 	snop  }
0x7: {  	_ = 	snop  }
__scs_overlays_trampoline_lowered:
0x8: {  	[smem:$0x3FAE] =	sst s0  }
0x9: {  	[smem:$0x3FAF] =	sst s1  }
0xa: {  	[smem:$0x3FB0] =	sst s2  }
0xb: {  	[smem:$0x3FB1] =	sst s3  }
0xc: {  	[smem:$0x3FB2] =	sst s4  }
0xd: {  	[smem:$0x3FB3] =	sst s5  }
0xe: {  	[smem:$0x3FB4] =	sst s6  }
0xf: {  	[smem:$0x3FB5] =	sst s7  }
0x10: {  	[smem:$0x3FB6] =	sst s8  }
0x11: {  	[smem:$0x3FB7] =	sst s9;
	s0 =	simm.s32 @!p0 $0x0  }
0x12: {  	s1 =	sld [smem:$0x3F9D];
	s0 =	simm.s32 @p0 $0x1  }
0x13: {  	[smem:$0x3FB8] =	sst s0;
	s0 =	simm.s32 @!p1 $0x0  }
0x14: {  	s2 =	sld [smem:$0x3F9C];
	s0 =	simm.s32 @p1 $0x1  }
0x15: {  	[smem:$0x3FB9] =	sst s0;
	s0 =	simm.s32 @!p2 $0x0  }
0x16: {  	s3 =	sld [smem:$0x3FDB];
	s0 =	simm.s32 @p2 $0x1  }
0x17: {  	s4 =	simm.s32 $0x1BF5;
	[smem:$0x3FBB] =	sst s0  }
0x18: {  	s0 =	sld [smem:$0x3F9E];
	_ =	swait.ge [sflag:s4], $0x0  }
0x19: {  	s7 =	sld [smem:$0x3F9F]  }
0x1a: {  	s8 =	sadd.s32 $0xFFFFE003, lr  }
0x1b: {  	s9 =	sadd.s32 $0xFFFFFEF7, lr;
	s5 =	simm.s32 $0xFFFFFFFF;
	p2 =	slt.u32 s8, $0xFFFFF086  }
0x1c: {  	p1 =	slt.u32 s9, $0xF7A;
	s5 =	simm.s32 @!p2 $0x0  }
0x1d: {  	s5 =	simm.s32 @p1 $0x1;
	p0 =	seq.s32 s7, s2  }
0x1e: {  	s7 =	smul.u32 @!p0 $0xF7A, s2;
	p2 =	seq.s32 @!p0 s5, $0x0  }
0x1f: {  	s9 =	smul.u32 $0xF7A, s1;
	s8 =	simm.s32 @!p0 $0x1BF5;
	p2 =	por !p2, p0  }
0x20: {  	[sflag:s8] =	ssyncset.s32 @!p0 $0xFFFFF086;
	s6 =	sadd.s32 @!p0 s3, s7;
	s7 =	simm.s32 @!p0 $0x108  }
0x21: {  	s3 =	sadd.s32 s3, s9;
	s6 =	sadd.s32 @!p0 $0x88, s6;
	s7 =	simm.s32 @p2 $0x1082  }
0x22: {  	[simem:s7], [sflag:s8] =	dma.local @!p0 [hbm:s6], $0xF7A  }
0x23: {  	s9 =	sor.u32 $0xD0000000, s2;
	s6 =	simm.s32 $0x108;
	_ =	swait.ge @!p0 [sflag:s8], $0x0  }
0x24: {  	s3 =	sadd.s32 $0x88, s3;
	s6 =	simm.s32 @!p1 $0x1082;
	[sflag:s4] =	ssyncset.s32 $0xFFFFF086  }
0x25: {  	[simem:s6], [sflag:s4] =	dma.local [hbm:s3], $0xF7A  }
0x26: {  	[smem:$0x3F9F] =	sst s1;
	(tag) =	ssettag s2;
	_ =	strace s9  }
0x27: {  	s1 =	sld [smem:$0x3FAF]  }
0x28: {  	s2 =	sld [smem:$0x3FB0]  }
0x29: {  	s4 =	sld [smem:$0x3FB2]  }
0x2a: {  	p0 =	seq.s32 s5, $0x0;
	s5 =	sld [smem:$0x3FB3]  }
0x2b: {  	s6 =	sld [smem:$0x3FB4]  }
0x2c: {  	s7 =	sld [smem:$0x3FB5]  }
0x2d: {  	s3 =	simm.s32 $0x108;
	s8 =	sld [smem:$0x3FB6]  }
0x2e: {  	s3 =	simm.s32 @!p0 $0x1082;
	s9 =	sld [smem:$0x3FB7]  }
0x2f: {  	lr =	sadd.s32 s0, s3;
	s0 =	sld [smem:$0x3FAE]  }
0x30: {  	s3 =	sld [smem:$0x3FB1]  }
0x31: {  	[smem:$0x3FBA] =	sst s10  }
0x32: {  	s10 =	sld [smem:$0x3FB8];
	_ =	sdelay $0x3  }
0x33: {  	p0 =	seq.s32 s10, $0x1;
	s10 =	sld [smem:$0x3FBA];
	_ =	sdelay $0x3  }
0x34: {  	[smem:$0x3FBA] =	sst s10  }
0x35: {  	s10 =	sld [smem:$0x3FB9];
	_ =	sdelay $0x3  }
0x36: {  	p1 =	seq.s32 s10, $0x1;
	s10 =	sld [smem:$0x3FBA];
	_ =	sdelay $0x3  }
0x37: {  	[smem:$0x3FBA] =	sst s10  }
0x38: {  	s10 =	sld [smem:$0x3FBB]  }
0x39: {  	_ = 	snop;
	(pc) =	sbr.ind lr, $3  }
0x3a: {  	_ = 	snop  }
0x3b: {  	_ = 	snop  }
0x3c: {  	p2 =	seq.s32 s10, $0x1;
	s10 =	sld [smem:$0x3FBA]  }
0x3d: {  	_ =	shalt  }
0x3e: {  	_ =	shalt  }
0x3f: {  	_ =	shalt  }
0x40: {  	_ =	shalt  }
0x41: {  	_ =	shalt  }
0x42: {  	_ =	shalt  }
0x43: {  	_ =	shalt  }
0x44: {  	_ =	shalt  }
0x45: {  	_ =	shalt  }
0x46: {  	_ =	shalt  }
0x47: {  	_ =	shalt  }
0x48: {  	_ =	shalt  }
0x49: {  	_ =	shalt  }
0x4a: {  	_ =	shalt  }
0x4b: {  	_ =	shalt  }
0x4c: {  	_ =	shalt  }
0x4d: {  	_ =	shalt  }
0x4e: {  	_ =	shalt  }
0x4f: {  	_ =	shalt  }
0x50: {  	_ =	shalt  }
0x51: {  	_ =	shalt  }
0x52: {  	_ =	shalt  }
0x53: {  	_ =	shalt  }
0x54: {  	_ =	shalt  }
0x55: {  	_ =	shalt  }
0x56: {  	_ =	shalt  }
0x57: {  	_ =	shalt  }
0x58: {  	_ =	shalt  }
0x59: {  	_ =	shalt  }
0x5a: {  	_ =	shalt  }
0x5b: {  	_ =	shalt  }
0x5c: {  	_ =	shalt  }
0x5d: {  	_ =	shalt  }
0x5e: {  	_ =	shalt  }
0x5f: {  	_ =	shalt  }
0x60: {  	_ =	shalt  }
0x61: {  	_ =	shalt  }
0x62: {  	_ =	shalt  }
0x63: {  	_ =	shalt  }
0x64: {  	_ =	shalt  }
0x65: {  	_ =	shalt  }
0x66: {  	_ =	shalt  }
0x67: {  	_ =	shalt  }
0x68: {  	_ =	shalt  }
0x69: {  	_ =	shalt  }
0x6a: {  	_ =	shalt  }
0x6b: {  	_ =	shalt  }
0x6c: {  	_ =	shalt  }
0x6d: {  	_ =	shalt  }
0x6e: {  	_ =	shalt  }
0x6f: {  	_ =	shalt  }
0x70: {  	_ =	shalt  }
0x71: {  	_ =	shalt  }
0x72: {  	_ =	shalt  }
0x73: {  	_ =	shalt  }
0x74: {  	_ =	shalt  }
0x75: {  	_ =	shalt  }
0x76: {  	_ =	shalt  }
0x77: {  	_ =	shalt  }
0x78: {  	_ =	shalt  }
0x79: {  	_ =	shalt  }
0x7a: {  	_ =	shalt  }
0x7b: {  	_ =	shalt  }
0x7c: {  	_ =	shalt  }
0x7d: {  	_ =	shalt  }
0x7e: {  	_ =	shalt  }
0x7f: {  	_ =	shalt  }
0x80: {  	_ =	shalt  }
0x81: {  	_ =	shalt  }
0x82: {  	_ =	shalt  }
0x83: {  	_ =	shalt  }
0x84: {  	_ =	shalt  }
0x85: {  	_ =	shalt  }
0x86: {  	_ =	shalt  }
0x87: {  	_ =	shalt  }
.Lfunc_end0:
.L_simem_size_0:
called_computation_lowered:
.L_overlay_start_0:
0x88: {  	s2 =	sld [smem:$0x3FD9]  }
0x89: {  	s3 =	sld [smem:$0x3FFE];
	_ =	sdelay $0x1  }
0x8a: {  	s1 =	srdreg.scid  }
0x8b: {  	s0 =	sand.u32 $0x1, s1  }
0x8c: {  	s18 =	sshll.u32 s0, $0xA;
	s2 =	sadd.s32 s3, s2  }
0x8d: {  	s2 =	sadd.s32 s2, s18  }
0x8e: {  	[smem:$0x3FC6] =	sst s2  }
0x8f: {  	_ = 	snop  }
0x90: {  	s2 =	sld [smem:$0x3FC9]  }
0x91: {  	s19 =	sld [smem:$0x3FC8]  }
0x92: {  	s4 =	sld [smem:$0x3FD0];
	(tm) =	ssettm $0x1  }
0x93: {  	s5 =	sld [smem:$0x3FFB];
	_ =	sdelay $0x3  }
0x94: {  	_ =	strace s5  }
0x95: {  	s5 =	sld [smem:$0x3FFC];
	_ =	sdelay $0x3  }
0x96: {  	_ =	strace s5  }
0x97: {  	s5 =	sld [smem:$0x3FFD];
	_ =	sdelay $0x3  }
0x98: {  	_ =	strace s5  }
0x99: {  	_ =	strace $0x8FFFFFFF  }
0x9a: {  	s20 =	sld [smem:$0x3FDB];
	_ =	sdelay $0x1  }
0x9b: {  	s6 =	simm.s32 $_scs_section_size  }
0x9c: {  	s7 =	simm.s32 $_size__tile_overlayer_lowered;
	s8 =	simm.s32 $_tile_overlayer_lowered  }
0x9d: {  	s23 =	simm.s32 $0x1BFF;
	s22 =	sshll.u32 s8, $0x1;
	s5 =	sadd.s32 s6, s20  }
0x9e: {  	s9 =	simm.s32 $0x0;
	s21 =	sshll.u32 s7, $0x1;
	s7 =	sadd.s32 s22, s5  }
0x9f: {  	[timem:s9], [sflag:s23] =	dma.local [hbm:s7], s21  }
0xa0: {  	_ =	swait.ge [sflag:s23], s21  }
0xa1: {  	s6 =	ssub.s32 $0x0, s21;
	[sflag:s23] =	ssyncset.done $0x0  }
0xa2: {  	[sflag:s23] =	ssyncadd.s32 s6;
	_ =	sdelay $0x1  }
0xa3: {  	s24 =	simm.s32 $0x1B8B  }
0xa4: {  	_ =	swait.ge [sflag:s24], $0x1  }
0xa5: {  	[sflag:s24] =	ssyncset.done $0x0  }
0xa6: {  	s25 =	simm.s32 $0x1B8E;
	[sflag:s24] =	ssyncadd.s32 $0xFFFFFFFF  }
0xa7: {  	s26 =	simm.s32 $execute0_lowered;
	[smem:$0x3FD2] =	sst s25  }
0xa8: {  	s6 =	sshll.u32 s26, $0x1;
	_ =	strace $0x80000046;
	[dreg:$0x1] =	wrdreg $0xFFFFFFFF  }
0xa9: {  	s28 =	simm.s32 $_size_execute0_lowered;
	s5 =	sadd.s32 s5, s6;
	[dreg:$0x0] =	wrdreg $0x0  }
0xaa: {  	s6 =	sshll.u32 s28, $0x1;
	[dreg:$0x2] =	wrdreg s5  }
0xab: {  	[dreg:$0x3] =	wrdreg s6  }
0xac: {  	[dreg:$0x4] =	wrdreg $0xC0  }
0xad: {  	_ =	task [dreg:s9], $0x5FFFF  }
0xae: {  	[dreg:$0x1] =	wrdreg $0xFFFFFFFF  }
0xaf: {  	[dreg:$0x0] =	wrdreg $0x60  }
0xb0: {  	[dreg:$0x2] =	wrdreg s2  }
0xb1: {  	[dreg:$0x3] =	wrdreg s19  }
0xb2: {  	[dreg:$0x4] =	wrdreg s4  }
0xb3: {  	[dreg:$0x5] =	wrdreg $0x9  }
0xb4: {  	_ =	task.clear_ibuf [dreg:s9], $0x6FFFF;
	_ =	strace $0x90000046  }
0xb5: {  	s29 =	simm.s32 $0x9;
	_ =	strace $0x80000048  }
0xb6: {  	_ =	swait.ge [sflag:s29], $0x1  }
0xb7: {  	[sflag:s29] =	ssyncadd.s32 $0xFFFFFFFF  }
0xb8: {  	_ =	strace $0x90000048  }
0xb9: {  	_ =	sfence  }
0xba: {  	s30 =	sld [smem:$0x0];
	_ =	sdelay $0x2  }
0xbb: {  	s31 =	sshll.u32 s1, $0xD;
	s1 =	sshrl.u32 s1, $0x2  }
0xbc: {  	s3 =	sand.u32 $0x4000, s31;
	s1 =	sadd.s32 s1, s30  }
0xbd: {  	s0 =	sor.u32 s3, s0;
	s1 =	sshll.u32 s1, $0x11  }
0xbe: {  	s0 =	sor.u32 s1, s0  }
0xbf: {  	s0 =	sadd.s32 $0x8F2B, s0  }
0xc0: {  	[sflag:s0] =	ssyncadd.remote.s32 $0x1  }
0xc1: {  	_ =	sfence.sel $0xFFFF  }
0xc2: {  	[dreg:$0x0] =	wrdreg $0xFFFFFFFF;
	(pc) =	sbr.abs _section_cstart, $3  }
0xc3: {  	[dreg:$0x1] =	wrdreg $0xFFFFFFFF  }
0xc4: {  	_ =	task.clear_ibuf [dreg:s9], $0x2FFFF;
	_ =	strace $0x9FFFFFFF  }
0xc5: {  	(tm) =	ssettm $0x7FFFFFFF  }
tec
execute0_lowered:
.L_overlay_start_1:
0x0: {  	(tag) =	ssettag $0x1  }
0x1: {  	s4 =	rddreg [dreg:$0x0]  }
0x2: {  	s1 =	rddreg [dreg:$0x1]  }
0x3: {  	s5 =	rddreg [dreg:$0x2];
	s6 =	srdreg.scid  }
0x4: {  	s3 =	simm.s32 $0x0;
	s2 =	stileid.u32;
	s11 =	simm.s32 $0x80  }
0x5: {  	s12 =	simm.s32 $0x200;
	s13 =	simm.s32 $0x4200;
	s14 =	simm.s32 $0x100  }
0x6: {  	s15 =	simm.s32 $0x8200;
	s16 =	simm.s32 $0x180;
	s17 =	simm.s32 $0xC200  }
0x7: {  	s18 =	simm.s32 $0x1;
	s19 =	simm.s32 $0x10200;
	s20 =	simm.s32 $0x2  }
0x8: {  	s21 =	simm.s32 $0x14200;
	s22 =	simm.s32 $0x3;
	s23 =	simm.s32 $0x5  }
0x9: {  	s24 =	simm.s32 $0x4;
	s25 =	simm.s32 $0x6;
	s6 =	sand.u32 $0x1, s6  }
0xa: {  	s26 =	simm.s32 $0x0;
	s7 =	sshll.u32 s2, $0xA;
	s8 =	sshll.u32 s6, $0x9  }
0xb: {  	[smem:$0x7FF] =	sst s3;
	s6 =	ssub.s32 $0x2, s6;
	s7 =	sor.u32 s8, s7  }
0xc: {  	_ =	strace $0x80000047;
	s31 =	sshrl.u32 s6, $0x1;
	s9 =	sshrl.u32 s7, $0x3  }
0xd: {  	s7 =	sshll.u32 s7, $0x4;
	s10 =	ssub.s32 s6, s31;
	s4 =	sadd.s32 s4, s9  }
0xe: {  	s5 =	sadd.s32 s5, s7;
	s9 =	smax.u32 s10, $0x1;
	s10 =	simm.s32 $0x7  }
0xf: {  	s6 =	sadd.s32 $0x800, s5;
	s7 =	sadd.s32 $0x1000, s5;
	s8 =	sadd.s32 $0x1800, s5  }
.LBB2_1:
0x10: {  	[tilespmem:s3], [sflag:$0x7] =	stream.linear.gather [hbm4b:s4+s3], $0x200, $0x38;
	[tilespmem:$0x18200] =	vst v63  }
0x11: {  	_ =	swait.ge [sflag:s10], $0x200  }
0x12: {  	[sflag:s10] =	ssyncset.done $0x0  }
0x13: {  	[sflag:s10] =	ssyncadd.s32 $0xFFFFFE00  }
0x14: {  	[tilespmem:s12], [sflag:$0x1] =	stream.indirect.gather [hbm4b:s1+s11], $0x80, s3, s11, $0xb8;
	[tilespmem:$0x18200] =	vst v63  }
0x15: {  	_ = 	snop  }
0x16: {  	[tilespmem:s13], [sflag:$0x2] =	stream.indirect.gather [hbm4b:s1+s11], $0x80, s11, s11, $0xb8;
	[tilespmem:$0x18200] =	vst v63  }
0x17: {  	_ = 	snop  }
0x18: {  	[tilespmem:s15], [sflag:$0x3] =	stream.indirect.gather [hbm4b:s1+s11], $0x80, s14, s11, $0xb8;
	[tilespmem:$0x18200] =	vst v63  }
0x19: {  	_ = 	snop  }
0x1a: {  	[tilespmem:s17], [sflag:$0x4] =	stream.indirect.gather [hbm4b:s1+s11], $0x80, s16, s11, $0xb8;
	[tilespmem:$0x18200] =	vst v63  }
0x1b: {  	_ =	swait.ge [sflag:s18], $0x4000  }
0x1c: {  	[sflag:s18] =	ssyncset.done $0x0  }
0x1d: {  	s29 =	simm.s32 $0x0;
	[sflag:s18] =	ssyncadd.s32 $0xFFFFC000  }
0x1e: {  	v0 =	vld [tilespmem:s29+$0x270]  }
0x1f: {  	v1 =	vld [tilespmem:s29+$0x250]  }
0x20: {  	v2 =	vld [tilespmem:s29+$0x260]  }
0x21: {  	v4 =	vld [tilespmem:s29+$0x230]  }
0x22: {  	v3 =	vld [tilespmem:s29+$0x200]  }
0x23: {  	v5 =	vld [tilespmem:s29+$0x210]  }
0x24: {  	v6 =	vld [tilespmem:s29+$0x240];
	v1 =	vmul.f32 $-4.000000000e+02, v1  }
0x25: {  	v7 =	vld [tilespmem:s29+$0x220];
	v0 =	vmul.f32 $-4.000000000e+02, v0;
	v2 =	vmul.f32 $-4.000000000e+02, v2  }
0x26: {  	s28 =	simm.s32 $0x80;
	v4 =	vmul.f32 $-4.000000000e+02, v4;
	v1 =	vmul.f32 $1.442695020e+00, v1  }
0x27: {  	v8 =	vld [tilespmem:s28+$0x270];
	v3 =	vmul.f32 $-4.000000000e+02, v3;
	v0 =	vmul.f32 $1.442695020e+00, v0  }
0x28: {  	v9 =	vld [tilespmem:s28+$0x250];
	v5 =	vmul.f32 $-4.000000000e+02, v5;
	(erf) = vpow2.f32 v1  }
0x29: {  	v6 =	vmul.f32 $-4.000000000e+02, v6;
	v1 =	vld [tilespmem:s28+$0x260];
	(erf) = vpow2.f32 v0  }
0x2a: {  	v7 =	vmul.f32 $-4.000000000e+02, v7;
	v2 =	vmul.f32 $1.442695020e+00, v2  }
0x2b: {  	v0 =	vmul.f32 $1.442695020e+00, v4;
	v4 =	vmul.f32 $1.442695020e+00, v6  }
0x2c: {  	v3 =	vmul.f32 $1.442695020e+00, v3;
	v6 =	vmul.f32 $1.442695020e+00, v7  }
0x2d: {  	v10 =	vld [tilespmem:s28+$0x200];
	(erf) = vpow2.f32 v4;
	v4 =	vmul.f32 $-4.000000000e+02, v8  }
0x2e: {  	v8 =	vmul.f32 $-4.000000000e+02, v9;
	v9 =	vld [tilespmem:s28+$0x240];
	v1 =	vmul.f32 $-4.000000000e+02, v1  }
0x2f: {  	v5 =	vmul.f32 $1.442695020e+00, v5;
	(erf) = vpow2.f32 v6;
	v6 =	vld [tilespmem:s28+$0x210]  }
0x30: {  	(erf) = vpow2.f32 v3;
	v3 =	vmul.f32 $1.442695020e+00, v8;
	v8 =	vld [tilespmem:s28+$0x220]  }
0x31: {  	v4 =	vmul.f32 $1.442695020e+00, v4;
	(erf) = vpow2.f32 v0;
	v11 =	vpop (erf)  }
0x32: {  	(erf) = vpow2.f32 v2;
	v2 =	vmul.f32 $1.442695020e+00, v1;
	v1 =	vpop (erf)  }
0x33: {  	v7 =	vld [tilespmem:s28+$0x230];
	v0 =	vmul.f32 $-4.000000000e+02, v10;
	v9 =	vmul.f32 $-4.000000000e+02, v9;
	v1 =	vadd.f32 $1.000000000e+00, v1  }
0x34: {  	(erf) = vpow2.f32 v3;
	v6 =	vmul.f32 $-4.000000000e+02, v6  }
0x35: {  	s30 =	simm.s32 $0x100;
	v3 =	vadd.f32 $1.000000000e+00, v11;
	v8 =	vmul.f32 $-4.000000000e+02, v8;
	(erf) = vrcp.f32 v1  }
0x36: {  	v10 =	vld [tilespmem:s30+$0x270];
	v9 =	vmul.f32 $1.442695020e+00, v9;
	(erf) = vpow2.f32 v5  }
0x37: {  	v12 =	vld [tilespmem:s30+$0x250];
	v8 =	vmul.f32 $1.442695020e+00, v8;
	v5 =	vpop (erf);
	(erf) = vrcp.f32 v3  }
0x38: {  	v7 =	vmul.f32 $-4.000000000e+02, v7;
	v1 =	vpop (erf);
	(erf) = vpow2.f32 v4  }
0x39: {  	v0 =	vmul.f32 $1.442695020e+00, v0;
	v11 =	vld [tilespmem:s30+$0x260];
	v3 =	vpop (erf);
	v4 =	vadd.f32 $1.000000000e+00, v1;
	(erf) = vpow2.f32 v9  }
0x3a: {  	v1 =	vmul.f32 $1.442695020e+00, v6;
	v6 =	vpop (erf);
	v3 =	vadd.f32 $1.000000000e+00, v3;
	(erf) = vpow2.f32 v8  }
0x3b: {  	v10 =	vmul.f32 $-4.000000000e+02, v10;
	v8 =	vpop (erf);
	(erf) = vrcp.f32 v4  }
0x3c: {  	v4 =	vmul.f32 $-4.000000000e+02, v12;
	v12 =	vadd.f32 $1.000000000e+00, v8;
	(erf) = vrcp.f32 v3  }
0x3d: {  	v13 =	vld [tilespmem:s30+$0x200];
	v7 =	vmul.f32 $1.442695020e+00, v7;
	(erf) = vpow2.f32 v0  }
0x3e: {  	v11 =	vmul.f32 $-4.000000000e+02, v11;
	v9 =	vld [tilespmem:s30+$0x230];
	(erf) = vrcp.f32 v12  }
0x3f: {  	v14 =	vld [tilespmem:s30+$0x210];
	v6 =	vadd.f32 $1.000000000e+00, v6;
	v3 =	vmul.f32 $1.442695020e+00, v10;
	v10 =	vpop (erf);
	(erf) = vpow2.f32 v7  }
0x40: {  	v8 =	vmul.f32 $1.442695020e+00, v4;
	v4 =	vpop (erf);
	(erf) = vpow2.f32 v2  }
0x41: {  	v15 =	vadd.f32 $1.000000000e+00, v5;
	v0 =	vpop (erf);
	(erf) = vrcp.f32 v6;
	v6 =	vld [tilespmem:s30+$0x240]  }
0x42: {  	v7 =	vmul.f32 $-4.000000000e+02, v13;
	v2 =	vpop (erf);
	v13 =	vadd.f32 $1.000000000e+00, v0;
	v0 =	vmul.f32 $1.442695020e+00, v11;
	v11 =	vld [tilespmem:s30+$0x220]  }
0x43: {  	v12 =	vmul.f32 $-4.000000000e+02, v9;
	v16 =	vpop (erf)  }
0x44: {  	v5 =	vmul.f32 $-4.000000000e+02, v14;
	v9 =	vadd.f32 $1.000000000e+00, v10;
	[tilespmem:s29+$0x10270] =	vst v4;
	(erf) = vrcp.f32 v15;
	v4 =	vpop (erf)  }
0x45: {  	s31 =	simm.s32 $0x600;
	[tilespmem:s29+$0x10250] =	vst v2;
	v2 =	vmul.f32 $1.442695020e+00, v12;
	v12 =	vadd.f32 $1.000000000e+00, v16;
	(erf) = vrcp.f32 v13;
	v10 =	vpop (erf)  }
.LBB2_2:
0x46: {  	s0 =	sshra.s32 s31, $0x2;
	p0 =	sne.s32 s31, $0xFE00;
	s31 =	sadd.s32 $0x200, s31;
	v6 =	vmul.f32 $-4.000000000e+02, v6;
	(erf) = vpow2.f32 v8;
	v8 =	vpop (erf)  }
0x47: {  	v13 =	vld [tilespmem:s0+$0x270];
	v11 =	vmul.f32 $-4.000000000e+02, v11;
	(erf) = vrcp.f32 v12;
	v12 =	vpop (erf)  }
0x48: {  	v14 =	vld [tilespmem:s0+$0x260];
	v15 =	vmul.f32 $1.442695020e+00, v6;
	v16 =	vpop (erf);
	(erf) = vpow2.f32 v1  }
0x49: {  	v17 =	vld [tilespmem:s0+$0x250];
	v11 =	vmul.f32 $1.442695020e+00, v11;
	(erf) = vrcp.f32 v9;
	v1 =	vpop (erf)  }
0x4a: {  	v7 =	vmul.f32 $1.442695020e+00, v7;
	v18 =	vadd.f32 $1.000000000e+00, v10;
	v6 =	vld [tilespmem:s0+$0x240];
	(erf) = vpow2.f32 v3;
	v9 =	vpop (erf);
	[tilespmem:s29+$0x10260] =	vst v1  }
0x4b: {  	v1 =	vmul.f32 $1.442695020e+00, v5;
	v10 =	vld [tilespmem:s0+$0x200];
	(erf) = vpow2.f32 v15;
	v5 =	vpop (erf);
	[tilespmem:s29+$0x10220] =	vst v8  }
0x4c: {  	v19 =	vadd.f32 $1.000000000e+00, v16;
	v15 =	vld [tilespmem:s0+$0x230];
	v8 =	vmul.f32 $-4.000000000e+02, v13;
	(erf) = vpow2.f32 v11;
	[tilespmem:s29+$0x10200] =	vst v12;
	v12 =	vpop (erf)  }
0x4d: {  	v16 =	vadd.f32 $1.000000000e+00, v4;
	v13 =	vld [tilespmem:s0+$0x210];
	v14 =	vmul.f32 $-4.000000000e+02, v14;
	(erf) = vrcp.f32 v18;
	[tilespmem:s29+$0x10230] =	vst v12;
	v3 =	vpop (erf)  }
0x4e: {  	v4 =	vmul.f32 $-4.000000000e+02, v17;
	v17 =	vadd.f32 $1.000000000e+00, v5;
	(erf) = vrcp.f32 v19;
	[tilespmem:s29+$0x10240] =	vst v3;
	v11 =	vpop (erf)  }
0x4f: {  	v3 =	vmul.f32 $1.442695020e+00, v8;
	(erf) = vpow2.f32 v7;
	v12 =	vpop (erf);
	[tilespmem:s29+$0x10210] =	vst v11;
	s29 =	smov.u32 s28;
	s28 =	smov.u32 s30;
	s30 =	smov.u32 s0  }
0x50: {  	v8 =	vmul.f32 $1.442695020e+00, v4;
	v4 =	vadd.f32 $1.000000000e+00, v9;
	(erf) = vrcp.f32 v17;
	v5 =	vpop (erf)  }
.Ltmp0:
0x51: {  	v15 =	vmul.f32 $-4.000000000e+02, v15;
	(erf) = vpow2.f32 v2;
	[tilespmem:s29+$0x10270] =	vst v5;
	v2 =	vpop (erf);
	(pc) =	sbr.rel @p0 .LBB2_2-.Ltmp0, $4  }
0x52: {  	v7 =	vmul.f32 $-4.000000000e+02, v10;
	v11 =	vld [tilespmem:s30+$0x220];
	(erf) = vpow2.f32 v0;
	v17 =	vadd.f32 $1.000000000e+00, v2;
	v2 =	vpop (erf)  }
0x53: {  	v0 =	vmul.f32 $1.442695020e+00, v14;
	v10 =	vpop (erf);
	[tilespmem:s29+$0x10250] =	vst v2;
	(erf) = vrcp.f32 v4  }
0x54: {  	v9 =	vadd.f32 $1.000000000e+00, v12;
	v5 =	vmul.f32 $-4.000000000e+02, v13;
	v4 =	vpop (erf);
	(erf) = vrcp.f32 v16  }
0x55: {  	v2 =	vmul.f32 $1.442695020e+00, v15;
	v12 =	vadd.f32 $1.000000000e+00, v10;
	v10 =	vpop (erf);
	(erf) = vrcp.f32 v17  }
0x56: {  	(erf) = vpow2.f32 v8;
	v6 =	vmul.f32 $-4.000000000e+02, v6  }
0x57: {  	v8 =	vpop (erf);
	(erf) = vrcp.f32 v12  }
0x58: {  	v12 =	vpop (erf);
	v11 =	vmul.f32 $-4.000000000e+02, v11;
	(erf) = vpow2.f32 v1  }
0x59: {  	v13 =	vpop (erf);
	v1 =	vmul.f32 $1.442695020e+00, v6;
	(erf) = vrcp.f32 v9  }
0x5a: {  	v9 =	vmul.f32 $1.442695020e+00, v11;
	v6 =	vpop (erf);
	(erf) = vpow2.f32 v3  }
0x5b: {  	v10 =	vadd.f32 $1.000000000e+00, v10;
	v3 =	vpop (erf);
	(erf) = vpow2.f32 v1  }
0x5c: {  	(erf) = vpow2.f32 v9;
	v9 =	vadd.f32 $1.000000000e+00, v13  }
0x5d: {  	v7 =	vmul.f32 $1.442695020e+00, v7;
	v1 =	vpop (erf)  }
0x5e: {  	v11 =	vpop (erf);
	v1 =	vadd.f32 $1.000000000e+00, v1  }
0x5f: {  	(erf) = vrcp.f32 v10;
	v10 =	vpop (erf)  }
0x60: {  	(erf) = vrcp.f32 v9;
	v9 =	vpop (erf)  }
0x61: {  	(erf) = vpow2.f32 v7;
	v7 =	vpop (erf)  }
0x62: {  	(erf) = vrcp.f32 v1;
	v1 =	vpop (erf)  }
0x63: {  	v3 =	vadd.f32 $1.000000000e+00, v3;
	(erf) = vpow2.f32 v2;
	v2 =	vpop (erf)  }
0x64: {  	v4 =	vadd.f32 $1.000000000e+00, v4;
	(erf) = vpow2.f32 v0;
	v0 =	vpop (erf)  }
0x65: {  	v2 =	vadd.f32 $1.000000000e+00, v2;
	(erf) = vrcp.f32 v3;
	v13 =	vpop (erf)  }
0x66: {  	(erf) = vrcp.f32 v4;
	v4 =	vadd.f32 $1.000000000e+00, v13  }
0x67: {  	v5 =	vmul.f32 $1.442695020e+00, v5;
	v3 =	vpop (erf)  }
0x68: {  	v13 =	vpop (erf);
	(erf) = vrcp.f32 v2  }
0x69: {  	v2 =	vpop (erf);
	(erf) = vrcp.f32 v4  }
0x6a: {  	[tilespmem:s29+$0x10260] =	vst v6;
	v6 =	vadd.f32 $1.000000000e+00, v7;
	v4 =	vpop (erf);
	(erf) = vpow2.f32 v5  }
0x6b: {  	v5 =	vpop (erf)  }
0x6c: {  	[tilespmem:s29+$0x10220] =	vst v8;
	v8 =	vadd.f32 $1.000000000e+00, v13;
	v7 =	vpop (erf)  }
0x6d: {  	[tilespmem:s29+$0x10200] =	vst v12;
	v12 =	vpop (erf)  }
0x6e: {  	[tilespmem:s29+$0x10230] =	vst v11;
	v5 =	vadd.f32 $1.000000000e+00, v5;
	(erf) = vrcp.f32 v6;
	v6 =	vpop (erf)  }
0x6f: {  	[tilespmem:s29+$0x10240] =	vst v10;
	v10 =	vpop (erf);
	v6 =	vadd.f32 $1.000000000e+00, v6  }
0x70: {  	[tilespmem:s29+$0x10210] =	vst v9;
	(erf) = vrcp.f32 v8;
	v8 =	vpop (erf)  }
0x71: {  	[tilespmem:s28+$0x10270] =	vst v1;
	v1 =	vpop (erf)  }
0x72: {  	[tilespmem:s28+$0x10250] =	vst v0;
	v0 =	vadd.f32 $1.000000000e+00, v12;
	(erf) = vrcp.f32 v5;
	v5 =	vpop (erf)  }
0x73: {  	v3 =	vadd.f32 $1.000000000e+00, v3;
	[tilespmem:s28+$0x10220] =	vst v2;
	(erf) = vrcp.f32 v6;
	v6 =	vpop (erf)  }
0x74: {  	[tilespmem:s28+$0x10200] =	vst v4;
	(erf) = vrcp.f32 v0;
	v2 =	vadd.f32 $1.000000000e+00, v6  }
0x75: {  	[tilespmem:s28+$0x10260] =	vst v7;
	(erf) = vrcp.f32 v3  }
0x76: {  	[tilespmem:s28+$0x10230] =	vst v10;
	(erf) = vrcp.f32 v2  }
0x77: {  	[tilespmem:s28+$0x10240] =	vst v8  }
0x78: {  	[tilespmem:s28+$0x10210] =	vst v1  }
0x79: {  	[tilespmem:s30+$0x10270] =	vst v5;
	v0 =	vpop (erf)  }
0x7a: {  	v1 =	vpop (erf);
	[tilespmem:s30+$0x10250] =	vst v0  }
0x7b: {  	v2 =	vpop (erf);
	[tilespmem:s30+$0x10220] =	vst v1  }
0x7c: {  	[tilespmem:s30+$0x10200] =	vst v2;
	v0 =	vpop (erf)  }
0x7d: {  	[tilespmem:s30+$0x10260] =	vst v0;
	v0 =	vpop (erf)  }
0x7e: {  	[tilespmem:s30+$0x10230] =	vst v0;
	v0 =	vpop (erf)  }
0x7f: {  	[tilespmem:s30+$0x10240] =	vst v0;
	v0 =	vpop (erf)  }
0x80: {  	s0 =	simm.s32 $0x0;
	[tilespmem:s30+$0x10210] =	vst v0  }
0x81: {  	[hbm4b:s5+s0] =	stream.linear.scatter [tilespmem:s19], [sflag:$0x5], $0x4000, $0x38;
	[tilespmem:$0x18200] =	vst v63  }
0x82: {  	_ =	swait.ge [sflag:s20], $0x4000  }
0x83: {  	[sflag:s20] =	ssyncset.done $0x0  }
0x84: {  	s29 =	simm.s32 $0x0;
	[sflag:s20] =	ssyncadd.s32 $0xFFFFC000  }
0x85: {  	v0 =	vld [tilespmem:s29+$0x4270]  }
0x86: {  	v1 =	vld [tilespmem:s29+$0x4250]  }
0x87: {  	v2 =	vld [tilespmem:s29+$0x4260]  }
0x88: {  	v4 =	vld [tilespmem:s29+$0x4230]  }
0x89: {  	v3 =	vld [tilespmem:s29+$0x4200]  }
0x8a: {  	v5 =	vld [tilespmem:s29+$0x4210]  }
0x8b: {  	v6 =	vld [tilespmem:s29+$0x4240];
	v1 =	vmul.f32 $-4.000000000e+02, v1  }
0x8c: {  	v7 =	vld [tilespmem:s29+$0x4220];
	v0 =	vmul.f32 $-4.000000000e+02, v0;
	v2 =	vmul.f32 $-4.000000000e+02, v2  }
0x8d: {  	s28 =	simm.s32 $0x80;
	v4 =	vmul.f32 $-4.000000000e+02, v4;
	v1 =	vmul.f32 $1.442695020e+00, v1  }
0x8e: {  	v8 =	vld [tilespmem:s28+$0x4270];
	v3 =	vmul.f32 $-4.000000000e+02, v3;
	v0 =	vmul.f32 $1.442695020e+00, v0  }
0x8f: {  	v9 =	vld [tilespmem:s28+$0x4250];
	v5 =	vmul.f32 $-4.000000000e+02, v5;
	(erf) = vpow2.f32 v1  }
0x90: {  	v6 =	vmul.f32 $-4.000000000e+02, v6;
	v1 =	vld [tilespmem:s28+$0x4260];
	(erf) = vpow2.f32 v0  }
0x91: {  	v7 =	vmul.f32 $-4.000000000e+02, v7;
	v2 =	vmul.f32 $1.442695020e+00, v2  }
0x92: {  	v0 =	vmul.f32 $1.442695020e+00, v4;
	v4 =	vmul.f32 $1.442695020e+00, v6  }
0x93: {  	v3 =	vmul.f32 $1.442695020e+00, v3;
	v6 =	vmul.f32 $1.442695020e+00, v7  }
0x94: {  	v10 =	vld [tilespmem:s28+$0x4200];
	(erf) = vpow2.f32 v4;
	v4 =	vmul.f32 $-4.000000000e+02, v8  }
0x95: {  	v8 =	vmul.f32 $-4.000000000e+02, v9;
	v9 =	vld [tilespmem:s28+$0x4240];
	v1 =	vmul.f32 $-4.000000000e+02, v1  }
0x96: {  	v5 =	vmul.f32 $1.442695020e+00, v5;
	(erf) = vpow2.f32 v6;
	v6 =	vld [tilespmem:s28+$0x4210]  }
0x97: {  	(erf) = vpow2.f32 v3;
	v3 =	vmul.f32 $1.442695020e+00, v8;
	v8 =	vld [tilespmem:s28+$0x4220]  }
0x98: {  	v4 =	vmul.f32 $1.442695020e+00, v4;
	(erf) = vpow2.f32 v0;
	v11 =	vpop (erf)  }
0x99: {  	(erf) = vpow2.f32 v2;
	v2 =	vmul.f32 $1.442695020e+00, v1;
	v1 =	vpop (erf)  }
0x9a: {  	v7 =	vld [tilespmem:s28+$0x4230];
	v0 =	vmul.f32 $-4.000000000e+02, v10;
	v9 =	vmul.f32 $-4.000000000e+02, v9;
	v1 =	vadd.f32 $1.000000000e+00, v1  }
0x9b: {  	(erf) = vpow2.f32 v3;
	v6 =	vmul.f32 $-4.000000000e+02, v6  }
0x9c: {  	s30 =	simm.s32 $0x100;
	v3 =	vadd.f32 $1.000000000e+00, v11;
	v8 =	vmul.f32 $-4.000000000e+02, v8;
	(erf) = vrcp.f32 v1  }
0x9d: {  	v10 =	vld [tilespmem:s30+$0x4270];
	v9 =	vmul.f32 $1.442695020e+00, v9;
	(erf) = vpow2.f32 v5  }
0x9e: {  	v12 =	vld [tilespmem:s30+$0x4250];
	v8 =	vmul.f32 $1.442695020e+00, v8;
	v5 =	vpop (erf);
	(erf) = vrcp.f32 v3  }
0x9f: {  	v7 =	vmul.f32 $-4.000000000e+02, v7;
	v1 =	vpop (erf);
	(erf) = vpow2.f32 v4  }
0xa0: {  	v0 =	vmul.f32 $1.442695020e+00, v0;
	v11 =	vld [tilespmem:s30+$0x4260];
	v3 =	vpop (erf);
	v4 =	vadd.f32 $1.000000000e+00, v1;
	(erf) = vpow2.f32 v9  }
0xa1: {  	v1 =	vmul.f32 $1.442695020e+00, v6;
	v6 =	vpop (erf);
	v3 =	vadd.f32 $1.000000000e+00, v3;
	(erf) = vpow2.f32 v8  }
0xa2: {  	v10 =	vmul.f32 $-4.000000000e+02, v10;
	v8 =	vpop (erf);
	(erf) = vrcp.f32 v4  }
0xa3: {  	v4 =	vmul.f32 $-4.000000000e+02, v12;
	v12 =	vadd.f32 $1.000000000e+00, v8;
	(erf) = vrcp.f32 v3  }
0xa4: {  	v13 =	vld [tilespmem:s30+$0x4200];
	v7 =	vmul.f32 $1.442695020e+00, v7;
	(erf) = vpow2.f32 v0  }
0xa5: {  	v11 =	vmul.f32 $-4.000000000e+02, v11;
	v9 =	vld [tilespmem:s30+$0x4230];
	(erf) = vrcp.f32 v12  }
0xa6: {  	v14 =	vld [tilespmem:s30+$0x4210];
	v6 =	vadd.f32 $1.000000000e+00, v6;
	v3 =	vmul.f32 $1.442695020e+00, v10;
	v10 =	vpop (erf);
	(erf) = vpow2.f32 v7  }
0xa7: {  	v8 =	vmul.f32 $1.442695020e+00, v4;
	v4 =	vpop (erf);
	(erf) = vpow2.f32 v2  }
0xa8: {  	v15 =	vadd.f32 $1.000000000e+00, v5;
	v0 =	vpop (erf);
	(erf) = vrcp.f32 v6;
	v6 =	vld [tilespmem:s30+$0x4240]  }
0xa9: {  	v7 =	vmul.f32 $-4.000000000e+02, v13;
	v2 =	vpop (erf);
	v13 =	vadd.f32 $1.000000000e+00, v0;
	v0 =	vmul.f32 $1.442695020e+00, v11;
	v11 =	vld [tilespmem:s30+$0x4220]  }
0xaa: {  	v12 =	vmul.f32 $-4.000000000e+02, v9;
	v16 =	vpop (erf)  }
0xab: {  	v5 =	vmul.f32 $-4.000000000e+02, v14;
	v9 =	vadd.f32 $1.000000000e+00, v10;
	[tilespmem:s29+$0x14270] =	vst v4;
	(erf) = vrcp.f32 v15;
	v4 =	vpop (erf)  }
0xac: {  	s31 =	simm.s32 $0x600;
	[tilespmem:s29+$0x14250] =	vst v2;
	v2 =	vmul.f32 $1.442695020e+00, v12;
	v12 =	vadd.f32 $1.000000000e+00, v16;
	(erf) = vrcp.f32 v13;
	v10 =	vpop (erf)  }
.LBB2_4:
0xad: {  	s0 =	sshra.s32 s31, $0x2;
	p0 =	sne.s32 s31, $0xFE00;
	s31 =	sadd.s32 $0x200, s31;
	v6 =	vmul.f32 $-4.000000000e+02, v6;
	(erf) = vpow2.f32 v8;
	v8 =	vpop (erf)  }
0xae: {  	v13 =	vld [tilespmem:s0+$0x4270];
	v11 =	vmul.f32 $-4.000000000e+02, v11;
	(erf) = vrcp.f32 v12;
	v12 =	vpop (erf)  }
0xaf: {  	v14 =	vld [tilespmem:s0+$0x4260];
	v15 =	vmul.f32 $1.442695020e+00, v6;
	v16 =	vpop (erf);
	(erf) = vpow2.f32 v1  }
0xb0: {  	v17 =	vld [tilespmem:s0+$0x4250];
	v11 =	vmul.f32 $1.442695020e+00, v11;
	(erf) = vrcp.f32 v9;
	v1 =	vpop (erf)  }
0xb1: {  	v7 =	vmul.f32 $1.442695020e+00, v7;
	v18 =	vadd.f32 $1.000000000e+00, v10;
	v6 =	vld [tilespmem:s0+$0x4240];
	(erf) = vpow2.f32 v3;
	v9 =	vpop (erf);
	[tilespmem:s29+$0x14260] =	vst v1  }
0xb2: {  	v1 =	vmul.f32 $1.442695020e+00, v5;
	v10 =	vld [tilespmem:s0+$0x4200];
	(erf) = vpow2.f32 v15;
	v5 =	vpop (erf);
	[tilespmem:s29+$0x14220] =	vst v8  }
0xb3: {  	v19 =	vadd.f32 $1.000000000e+00, v16;
	v15 =	vld [tilespmem:s0+$0x4230];
	v8 =	vmul.f32 $-4.000000000e+02, v13;
	(erf) = vpow2.f32 v11;
	[tilespmem:s29+$0x14200] =	vst v12;
	v12 =	vpop (erf)  }
0xb4: {  	v16 =	vadd.f32 $1.000000000e+00, v4;
	v13 =	vld [tilespmem:s0+$0x4210];
	v14 =	vmul.f32 $-4.000000000e+02, v14;
	(erf) = vrcp.f32 v18;
	[tilespmem:s29+$0x14230] =	vst v12;
	v3 =	vpop (erf)  }
0xb5: {  	v4 =	vmul.f32 $-4.000000000e+02, v17;
	v17 =	vadd.f32 $1.000000000e+00, v5;
	(erf) = vrcp.f32 v19;
	[tilespmem:s29+$0x14240] =	vst v3;
	v11 =	vpop (erf)  }
0xb6: {  	v3 =	vmul.f32 $1.442695020e+00, v8;
	(erf) = vpow2.f32 v7;
	v12 =	vpop (erf);
	[tilespmem:s29+$0x14210] =	vst v11;
	s29 =	smov.u32 s28;
	s28 =	smov.u32 s30;
	s30 =	smov.u32 s0  }
0xb7: {  	v8 =	vmul.f32 $1.442695020e+00, v4;
	v4 =	vadd.f32 $1.000000000e+00, v9;
	(erf) = vrcp.f32 v17;
	v5 =	vpop (erf)  }
.Ltmp1:
0xb8: {  	v15 =	vmul.f32 $-4.000000000e+02, v15;
	(erf) = vpow2.f32 v2;
	[tilespmem:s29+$0x14270] =	vst v5;
	v2 =	vpop (erf);
	(pc) =	sbr.rel @p0 .LBB2_4-.Ltmp1, $4  }
0xb9: {  	v7 =	vmul.f32 $-4.000000000e+02, v10;
	v11 =	vld [tilespmem:s30+$0x4220];
	(erf) = vpow2.f32 v0;
	v17 =	vadd.f32 $1.000000000e+00, v2;
	v2 =	vpop (erf)  }
0xba: {  	v0 =	vmul.f32 $1.442695020e+00, v14;
	v10 =	vpop (erf);
	[tilespmem:s29+$0x14250] =	vst v2;
	(erf) = vrcp.f32 v4  }
0xbb: {  	v9 =	vadd.f32 $1.000000000e+00, v12;
	v5 =	vmul.f32 $-4.000000000e+02, v13;
	v4 =	vpop (erf);
	(erf) = vrcp.f32 v16  }
0xbc: {  	v2 =	vmul.f32 $1.442695020e+00, v15;
	v12 =	vadd.f32 $1.000000000e+00, v10;
	v10 =	vpop (erf);
	(erf) = vrcp.f32 v17  }
0xbd: {  	(erf) = vpow2.f32 v8;
	v6 =	vmul.f32 $-4.000000000e+02, v6  }
0xbe: {  	v8 =	vpop (erf);
	(erf) = vrcp.f32 v12  }
0xbf: {  	v12 =	vpop (erf);
	v11 =	vmul.f32 $-4.000000000e+02, v11;
	(erf) = vpow2.f32 v1  }
0xc0: {  	v13 =	vpop (erf);
	v1 =	vmul.f32 $1.442695020e+00, v6;
	(erf) = vrcp.f32 v9  }
0xc1: {  	v9 =	vmul.f32 $1.442695020e+00, v11;
	v6 =	vpop (erf);
	(erf) = vpow2.f32 v3  }
0xc2: {  	v10 =	vadd.f32 $1.000000000e+00, v10;
	v3 =	vpop (erf);
	(erf) = vpow2.f32 v1  }
0xc3: {  	(erf) = vpow2.f32 v9;
	v9 =	vadd.f32 $1.000000000e+00, v13  }
0xc4: {  	v7 =	vmul.f32 $1.442695020e+00, v7;
	v1 =	vpop (erf)  }
0xc5: {  	v11 =	vpop (erf);
	v1 =	vadd.f32 $1.000000000e+00, v1  }
0xc6: {  	(erf) = vrcp.f32 v10;
	v10 =	vpop (erf)  }
0xc7: {  	(erf) = vrcp.f32 v9;
	v9 =	vpop (erf)  }
0xc8: {  	(erf) = vpow2.f32 v7;
	v7 =	vpop (erf)  }
0xc9: {  	(erf) = vrcp.f32 v1;
	v1 =	vpop (erf)  }
0xca: {  	v3 =	vadd.f32 $1.000000000e+00, v3;
	(erf) = vpow2.f32 v2;
	v2 =	vpop (erf)  }
0xcb: {  	v4 =	vadd.f32 $1.000000000e+00, v4;
	(erf) = vpow2.f32 v0;
	v0 =	vpop (erf)  }
0xcc: {  	v2 =	vadd.f32 $1.000000000e+00, v2;
	(erf) = vrcp.f32 v3;
	v13 =	vpop (erf)  }
0xcd: {  	(erf) = vrcp.f32 v4;
	v4 =	vadd.f32 $1.000000000e+00, v13  }
0xce: {  	v5 =	vmul.f32 $1.442695020e+00, v5;
	v3 =	vpop (erf)  }
0xcf: {  	v13 =	vpop (erf);
	(erf) = vrcp.f32 v2  }
0xd0: {  	v2 =	vpop (erf);
	(erf) = vrcp.f32 v4  }
0xd1: {  	[tilespmem:s29+$0x14260] =	vst v6;
	v6 =	vadd.f32 $1.000000000e+00, v7;
	v4 =	vpop (erf);
	(erf) = vpow2.f32 v5  }
0xd2: {  	v5 =	vpop (erf)  }
0xd3: {  	[tilespmem:s29+$0x14220] =	vst v8;
	v8 =	vadd.f32 $1.000000000e+00, v13;
	v7 =	vpop (erf)  }
0xd4: {  	[tilespmem:s29+$0x14200] =	vst v12;
	v12 =	vpop (erf)  }
0xd5: {  	[tilespmem:s29+$0x14230] =	vst v11;
	v5 =	vadd.f32 $1.000000000e+00, v5;
	(erf) = vrcp.f32 v6;
	v6 =	vpop (erf)  }
0xd6: {  	[tilespmem:s29+$0x14240] =	vst v10;
	v10 =	vpop (erf);
	v6 =	vadd.f32 $1.000000000e+00, v6  }
0xd7: {  	[tilespmem:s29+$0x14210] =	vst v9;
	(erf) = vrcp.f32 v8;
	v8 =	vpop (erf)  }
0xd8: {  	[tilespmem:s28+$0x14270] =	vst v1;
	v1 =	vpop (erf)  }
0xd9: {  	[tilespmem:s28+$0x14250] =	vst v0;
	v0 =	vadd.f32 $1.000000000e+00, v12;
	(erf) = vrcp.f32 v5;
	v5 =	vpop (erf)  }
0xda: {  	v3 =	vadd.f32 $1.000000000e+00, v3;
	[tilespmem:s28+$0x14220] =	vst v2;
	(erf) = vrcp.f32 v6;
	v6 =	vpop (erf)  }
0xdb: {  	[tilespmem:s28+$0x14200] =	vst v4;
	(erf) = vrcp.f32 v0;
	v2 =	vadd.f32 $1.000000000e+00, v6  }
0xdc: {  	[tilespmem:s28+$0x14260] =	vst v7;
	(erf) = vrcp.f32 v3  }
0xdd: {  	[tilespmem:s28+$0x14230] =	vst v10;
	(erf) = vrcp.f32 v2  }
0xde: {  	[tilespmem:s28+$0x14240] =	vst v8  }
0xdf: {  	[tilespmem:s28+$0x14210] =	vst v1  }
0xe0: {  	[tilespmem:s30+$0x14270] =	vst v5;
	v0 =	vpop (erf)  }
0xe1: {  	v1 =	vpop (erf);
	[tilespmem:s30+$0x14250] =	vst v0  }
0xe2: {  	v2 =	vpop (erf);
	[tilespmem:s30+$0x14220] =	vst v1  }
0xe3: {  	[tilespmem:s30+$0x14200] =	vst v2;
	v0 =	vpop (erf)  }
0xe4: {  	[tilespmem:s30+$0x14260] =	vst v0;
	v0 =	vpop (erf)  }
0xe5: {  	[tilespmem:s30+$0x14230] =	vst v0;
	v0 =	vpop (erf)  }
0xe6: {  	[tilespmem:s30+$0x14240] =	vst v0;
	v0 =	vpop (erf)  }
0xe7: {  	s0 =	simm.s32 $0x0;
	[tilespmem:s30+$0x14210] =	vst v0  }
0xe8: {  	[hbm4b:s6+s0] =	stream.linear.scatter [tilespmem:s21], [sflag:$0x6], $0x4000, $0x38;
	[tilespmem:$0x18200] =	vst v63  }
0xe9: {  	_ =	swait.ge [sflag:s22], $0x4000  }
0xea: {  	[sflag:s22] =	ssyncset.done $0x0  }
0xeb: {  	[sflag:s22] =	ssyncadd.s32 $0xFFFFC000  }
0xec: {  	_ =	swait.ge [sflag:s23], $0x4000  }
0xed: {  	[sflag:s23] =	ssyncset.done $0x0  }
0xee: {  	s29 =	simm.s32 $0x0;
	[sflag:s23] =	ssyncadd.s32 $0xFFFFC000  }
0xef: {  	v0 =	vld [tilespmem:s29+$0x8270]  }
0xf0: {  	v1 =	vld [tilespmem:s29+$0x8250]  }
0xf1: {  	v2 =	vld [tilespmem:s29+$0x8260]  }
0xf2: {  	v4 =	vld [tilespmem:s29+$0x8230]  }
0xf3: {  	v3 =	vld [tilespmem:s29+$0x8200]  }
0xf4: {  	v5 =	vld [tilespmem:s29+$0x8210]  }
0xf5: {  	v6 =	vld [tilespmem:s29+$0x8240];
	v1 =	vmul.f32 $-4.000000000e+02, v1  }
0xf6: {  	v7 =	vld [tilespmem:s29+$0x8220];
	v0 =	vmul.f32 $-4.000000000e+02, v0;
	v2 =	vmul.f32 $-4.000000000e+02, v2  }
0xf7: {  	s28 =	simm.s32 $0x80;
	v4 =	vmul.f32 $-4.000000000e+02, v4;
	v1 =	vmul.f32 $1.442695020e+00, v1  }
0xf8: {  	v8 =	vld [tilespmem:s28+$0x8270];
	v3 =	vmul.f32 $-4.000000000e+02, v3;
	v0 =	vmul.f32 $1.442695020e+00, v0  }
0xf9: {  	v9 =	vld [tilespmem:s28+$0x8250];
	v5 =	vmul.f32 $-4.000000000e+02, v5;
	(erf) = vpow2.f32 v1  }
0xfa: {  	v6 =	vmul.f32 $-4.000000000e+02, v6;
	v1 =	vld [tilespmem:s28+$0x8260];
	(erf) = vpow2.f32 v0  }
0xfb: {  	v7 =	vmul.f32 $-4.000000000e+02, v7;
	v2 =	vmul.f32 $1.442695020e+00, v2  }
0xfc: {  	v0 =	vmul.f32 $1.442695020e+00, v4;
	v4 =	vmul.f32 $1.442695020e+00, v6  }
0xfd: {  	v3 =	vmul.f32 $1.442695020e+00, v3;
	v6 =	vmul.f32 $1.442695020e+00, v7  }
0xfe: {  	v10 =	vld [tilespmem:s28+$0x8200];
	(erf) = vpow2.f32 v4;
	v4 =	vmul.f32 $-4.000000000e+02, v8  }
0xff: {  	v8 =	vmul.f32 $-4.000000000e+02, v9;
	v9 =	vld [tilespmem:s28+$0x8240];
	v1 =	vmul.f32 $-4.000000000e+02, v1  }
0x100: {  	v5 =	vmul.f32 $1.442695020e+00, v5;
	(erf) = vpow2.f32 v6;
	v6 =	vld [tilespmem:s28+$0x8210]  }
0x101: {  	(erf) = vpow2.f32 v3;
	v3 =	vmul.f32 $1.442695020e+00, v8;
	v8 =	vld [tilespmem:s28+$0x8220]  }
0x102: {  	v4 =	vmul.f32 $1.442695020e+00, v4;
	(erf) = vpow2.f32 v0;
	v11 =	vpop (erf)  }
0x103: {  	(erf) = vpow2.f32 v2;
	v2 =	vmul.f32 $1.442695020e+00, v1;
	v1 =	vpop (erf)  }
0x104: {  	v7 =	vld [tilespmem:s28+$0x8230];
	v0 =	vmul.f32 $-4.000000000e+02, v10;
	v9 =	vmul.f32 $-4.000000000e+02, v9;
	v1 =	vadd.f32 $1.000000000e+00, v1  }
0x105: {  	(erf) = vpow2.f32 v3;
	v6 =	vmul.f32 $-4.000000000e+02, v6  }
0x106: {  	s30 =	simm.s32 $0x100;
	v3 =	vadd.f32 $1.000000000e+00, v11;
	v8 =	vmul.f32 $-4.000000000e+02, v8;
	(erf) = vrcp.f32 v1  }
0x107: {  	v10 =	vld [tilespmem:s30+$0x8270];
	v9 =	vmul.f32 $1.442695020e+00, v9;
	(erf) = vpow2.f32 v5  }
0x108: {  	v12 =	vld [tilespmem:s30+$0x8250];
	v8 =	vmul.f32 $1.442695020e+00, v8;
	v5 =	vpop (erf);
	(erf) = vrcp.f32 v3  }
0x109: {  	v7 =	vmul.f32 $-4.000000000e+02, v7;
	v1 =	vpop (erf);
	(erf) = vpow2.f32 v4  }
0x10a: {  	v0 =	vmul.f32 $1.442695020e+00, v0;
	v11 =	vld [tilespmem:s30+$0x8260];
	v3 =	vpop (erf);
	v4 =	vadd.f32 $1.000000000e+00, v1;
	(erf) = vpow2.f32 v9  }
0x10b: {  	v1 =	vmul.f32 $1.442695020e+00, v6;
	v6 =	vpop (erf);
	v3 =	vadd.f32 $1.000000000e+00, v3;
	(erf) = vpow2.f32 v8  }
0x10c: {  	v10 =	vmul.f32 $-4.000000000e+02, v10;
	v8 =	vpop (erf);
	(erf) = vrcp.f32 v4  }
0x10d: {  	v4 =	vmul.f32 $-4.000000000e+02, v12;
	v12 =	vadd.f32 $1.000000000e+00, v8;
	(erf) = vrcp.f32 v3  }
0x10e: {  	v13 =	vld [tilespmem:s30+$0x8200];
	v7 =	vmul.f32 $1.442695020e+00, v7;
	(erf) = vpow2.f32 v0  }
0x10f: {  	v11 =	vmul.f32 $-4.000000000e+02, v11;
	v9 =	vld [tilespmem:s30+$0x8230];
	(erf) = vrcp.f32 v12  }
0x110: {  	v14 =	vld [tilespmem:s30+$0x8210];
	v6 =	vadd.f32 $1.000000000e+00, v6;
	v3 =	vmul.f32 $1.442695020e+00, v10;
	v10 =	vpop (erf);
	(erf) = vpow2.f32 v7  }
0x111: {  	v8 =	vmul.f32 $1.442695020e+00, v4;
	v4 =	vpop (erf);
	(erf) = vpow2.f32 v2  }
0x112: {  	v15 =	vadd.f32 $1.000000000e+00, v5;
	v0 =	vpop (erf);
	(erf) = vrcp.f32 v6;
	v6 =	vld [tilespmem:s30+$0x8240]  }
0x113: {  	v7 =	vmul.f32 $-4.000000000e+02, v13;
	v2 =	vpop (erf);
	v13 =	vadd.f32 $1.000000000e+00, v0;
	v0 =	vmul.f32 $1.442695020e+00, v11;
	v11 =	vld [tilespmem:s30+$0x8220]  }
0x114: {  	v12 =	vmul.f32 $-4.000000000e+02, v9;
	v16 =	vpop (erf)  }
0x115: {  	v5 =	vmul.f32 $-4.000000000e+02, v14;
	v9 =	vadd.f32 $1.000000000e+00, v10;
	[tilespmem:s29+$0x10270] =	vst v4;
	(erf) = vrcp.f32 v15;
	v4 =	vpop (erf)  }
0x116: {  	s31 =	simm.s32 $0x600;
	[tilespmem:s29+$0x10250] =	vst v2;
	v2 =	vmul.f32 $1.442695020e+00, v12;
	v12 =	vadd.f32 $1.000000000e+00, v16;
	(erf) = vrcp.f32 v13;
	v10 =	vpop (erf)  }
.LBB2_6:
0x117: {  	s0 =	sshra.s32 s31, $0x2;
	p0 =	sne.s32 s31, $0xFE00;
	s31 =	sadd.s32 $0x200, s31;
	v6 =	vmul.f32 $-4.000000000e+02, v6;
	(erf) = vpow2.f32 v8;
	v8 =	vpop (erf)  }
0x118: {  	v13 =	vld [tilespmem:s0+$0x8270];
	v11 =	vmul.f32 $-4.000000000e+02, v11;
	(erf) = vrcp.f32 v12;
	v12 =	vpop (erf)  }
0x119: {  	v14 =	vld [tilespmem:s0+$0x8260];
	v15 =	vmul.f32 $1.442695020e+00, v6;
	v16 =	vpop (erf);
	(erf) = vpow2.f32 v1  }
0x11a: {  	v17 =	vld [tilespmem:s0+$0x8250];
	v11 =	vmul.f32 $1.442695020e+00, v11;
	(erf) = vrcp.f32 v9;
	v1 =	vpop (erf)  }
0x11b: {  	v7 =	vmul.f32 $1.442695020e+00, v7;
	v18 =	vadd.f32 $1.000000000e+00, v10;
	v6 =	vld [tilespmem:s0+$0x8240];
	(erf) = vpow2.f32 v3;
	v9 =	vpop (erf);
	[tilespmem:s29+$0x10260] =	vst v1  }
0x11c: {  	v1 =	vmul.f32 $1.442695020e+00, v5;
	v10 =	vld [tilespmem:s0+$0x8200];
	(erf) = vpow2.f32 v15;
	v5 =	vpop (erf);
	[tilespmem:s29+$0x10220] =	vst v8  }
0x11d: {  	v19 =	vadd.f32 $1.000000000e+00, v16;
	v15 =	vld [tilespmem:s0+$0x8230];
	v8 =	vmul.f32 $-4.000000000e+02, v13;
	(erf) = vpow2.f32 v11;
	[tilespmem:s29+$0x10200] =	vst v12;
	v12 =	vpop (erf)  }
0x11e: {  	v16 =	vadd.f32 $1.000000000e+00, v4;
	v13 =	vld [tilespmem:s0+$0x8210];
	v14 =	vmul.f32 $-4.000000000e+02, v14;
	(erf) = vrcp.f32 v18;
	[tilespmem:s29+$0x10230] =	vst v12;
	v3 =	vpop (erf)  }
0x11f: {  	v4 =	vmul.f32 $-4.000000000e+02, v17;
	v17 =	vadd.f32 $1.000000000e+00, v5;
	(erf) = vrcp.f32 v19;
	[tilespmem:s29+$0x10240] =	vst v3;
	v11 =	vpop (erf)  }
0x120: {  	v3 =	vmul.f32 $1.442695020e+00, v8;
	(erf) = vpow2.f32 v7;
	v12 =	vpop (erf);
	[tilespmem:s29+$0x10210] =	vst v11;
	s29 =	smov.u32 s28;
	s28 =	smov.u32 s30;
	s30 =	smov.u32 s0  }
0x121: {  	v8 =	vmul.f32 $1.442695020e+00, v4;
	v4 =	vadd.f32 $1.000000000e+00, v9;
	(erf) = vrcp.f32 v17;
	v5 =	vpop (erf)  }
.Ltmp2:
0x122: {  	v15 =	vmul.f32 $-4.000000000e+02, v15;
	(erf) = vpow2.f32 v2;
	[tilespmem:s29+$0x10270] =	vst v5;
	v2 =	vpop (erf);
	(pc) =	sbr.rel @p0 .LBB2_6-.Ltmp2, $4  }
0x123: {  	v7 =	vmul.f32 $-4.000000000e+02, v10;
	v11 =	vld [tilespmem:s30+$0x8220];
	(erf) = vpow2.f32 v0;
	v17 =	vadd.f32 $1.000000000e+00, v2;
	v2 =	vpop (erf)  }
0x124: {  	v0 =	vmul.f32 $1.442695020e+00, v14;
	v10 =	vpop (erf);
	[tilespmem:s29+$0x10250] =	vst v2;
	(erf) = vrcp.f32 v4  }
0x125: {  	v9 =	vadd.f32 $1.000000000e+00, v12;
	v5 =	vmul.f32 $-4.000000000e+02, v13;
	v4 =	vpop (erf);
	(erf) = vrcp.f32 v16  }
0x126: {  	v2 =	vmul.f32 $1.442695020e+00, v15;
	v12 =	vadd.f32 $1.000000000e+00, v10;
	v10 =	vpop (erf);
	(erf) = vrcp.f32 v17  }
0x127: {  	(erf) = vpow2.f32 v8;
	v6 =	vmul.f32 $-4.000000000e+02, v6  }
0x128: {  	v8 =	vpop (erf);
	(erf) = vrcp.f32 v12  }
0x129: {  	v12 =	vpop (erf);
	v11 =	vmul.f32 $-4.000000000e+02, v11;
	(erf) = vpow2.f32 v1  }
0x12a: {  	v13 =	vpop (erf);
	v1 =	vmul.f32 $1.442695020e+00, v6;
	(erf) = vrcp.f32 v9  }
0x12b: {  	v9 =	vmul.f32 $1.442695020e+00, v11;
	v6 =	vpop (erf);
	(erf) = vpow2.f32 v3  }
0x12c: {  	v10 =	vadd.f32 $1.000000000e+00, v10;
	v3 =	vpop (erf);
	(erf) = vpow2.f32 v1  }
0x12d: {  	(erf) = vpow2.f32 v9;
	v9 =	vadd.f32 $1.000000000e+00, v13  }
0x12e: {  	v7 =	vmul.f32 $1.442695020e+00, v7;
	v1 =	vpop (erf)  }
0x12f: {  	v11 =	vpop (erf);
	v1 =	vadd.f32 $1.000000000e+00, v1  }
0x130: {  	(erf) = vrcp.f32 v10;
	v10 =	vpop (erf)  }
0x131: {  	(erf) = vrcp.f32 v9;
	v9 =	vpop (erf)  }
0x132: {  	(erf) = vpow2.f32 v7;
	v7 =	vpop (erf)  }
0x133: {  	(erf) = vrcp.f32 v1;
	v1 =	vpop (erf)  }
0x134: {  	v3 =	vadd.f32 $1.000000000e+00, v3;
	(erf) = vpow2.f32 v2;
	v2 =	vpop (erf)  }
0x135: {  	v4 =	vadd.f32 $1.000000000e+00, v4;
	(erf) = vpow2.f32 v0;
	v0 =	vpop (erf)  }
0x136: {  	v2 =	vadd.f32 $1.000000000e+00, v2;
	(erf) = vrcp.f32 v3;
	v13 =	vpop (erf)  }
0x137: {  	(erf) = vrcp.f32 v4;
	v4 =	vadd.f32 $1.000000000e+00, v13  }
0x138: {  	v5 =	vmul.f32 $1.442695020e+00, v5;
	v3 =	vpop (erf)  }
0x139: {  	v13 =	vpop (erf);
	(erf) = vrcp.f32 v2  }
0x13a: {  	v2 =	vpop (erf);
	(erf) = vrcp.f32 v4  }
0x13b: {  	[tilespmem:s29+$0x10260] =	vst v6;
	v6 =	vadd.f32 $1.000000000e+00, v7;
	v4 =	vpop (erf);
	(erf) = vpow2.f32 v5  }
0x13c: {  	v5 =	vpop (erf)  }
0x13d: {  	[tilespmem:s29+$0x10220] =	vst v8;
	v8 =	vadd.f32 $1.000000000e+00, v13;
	v7 =	vpop (erf)  }
0x13e: {  	[tilespmem:s29+$0x10200] =	vst v12;
	v12 =	vpop (erf)  }
0x13f: {  	[tilespmem:s29+$0x10230] =	vst v11;
	v5 =	vadd.f32 $1.000000000e+00, v5;
	(erf) = vrcp.f32 v6;
	v6 =	vpop (erf)  }
0x140: {  	[tilespmem:s29+$0x10240] =	vst v10;
	v10 =	vpop (erf);
	v6 =	vadd.f32 $1.000000000e+00, v6  }
0x141: {  	[tilespmem:s29+$0x10210] =	vst v9;
	(erf) = vrcp.f32 v8;
	v8 =	vpop (erf)  }
0x142: {  	[tilespmem:s28+$0x10270] =	vst v1;
	v1 =	vpop (erf)  }
0x143: {  	[tilespmem:s28+$0x10250] =	vst v0;
	v0 =	vadd.f32 $1.000000000e+00, v12;
	(erf) = vrcp.f32 v5;
	v5 =	vpop (erf)  }
0x144: {  	v3 =	vadd.f32 $1.000000000e+00, v3;
	[tilespmem:s28+$0x10220] =	vst v2;
	(erf) = vrcp.f32 v6;
	v6 =	vpop (erf)  }
0x145: {  	[tilespmem:s28+$0x10200] =	vst v4;
	(erf) = vrcp.f32 v0;
	v2 =	vadd.f32 $1.000000000e+00, v6  }
0x146: {  	[tilespmem:s28+$0x10260] =	vst v7;
	(erf) = vrcp.f32 v3  }
0x147: {  	[tilespmem:s28+$0x10230] =	vst v10;
	(erf) = vrcp.f32 v2  }
0x148: {  	[tilespmem:s28+$0x10240] =	vst v8  }
0x149: {  	[tilespmem:s28+$0x10210] =	vst v1  }
0x14a: {  	[tilespmem:s30+$0x10270] =	vst v5;
	v0 =	vpop (erf)  }
0x14b: {  	v1 =	vpop (erf);
	[tilespmem:s30+$0x10250] =	vst v0  }
0x14c: {  	v2 =	vpop (erf);
	[tilespmem:s30+$0x10220] =	vst v1  }
0x14d: {  	[tilespmem:s30+$0x10200] =	vst v2;
	v0 =	vpop (erf)  }
0x14e: {  	[tilespmem:s30+$0x10260] =	vst v0;
	v0 =	vpop (erf)  }
0x14f: {  	[tilespmem:s30+$0x10230] =	vst v0;
	v0 =	vpop (erf)  }
0x150: {  	[tilespmem:s30+$0x10240] =	vst v0;
	v0 =	vpop (erf)  }
0x151: {  	s0 =	simm.s32 $0x0;
	[tilespmem:s30+$0x10210] =	vst v0  }
0x152: {  	[hbm4b:s7+s0] =	stream.linear.scatter [tilespmem:s19], [sflag:$0x5], $0x4000, $0x38;
	[tilespmem:$0x18200] =	vst v63  }
0x153: {  	_ =	swait.ge [sflag:s24], $0x4000  }
0x154: {  	[sflag:s24] =	ssyncset.done $0x0  }
0x155: {  	[sflag:s24] =	ssyncadd.s32 $0xFFFFC000  }
0x156: {  	_ =	swait.ge [sflag:s25], $0x4000  }
0x157: {  	[sflag:s25] =	ssyncset.done $0x0  }
0x158: {  	s29 =	simm.s32 $0x0;
	[sflag:s25] =	ssyncadd.s32 $0xFFFFC000  }
0x159: {  	v0 =	vld [tilespmem:s29+$0xC270]  }
0x15a: {  	v1 =	vld [tilespmem:s29+$0xC250]  }
0x15b: {  	v2 =	vld [tilespmem:s29+$0xC260]  }
0x15c: {  	v4 =	vld [tilespmem:s29+$0xC230]  }
0x15d: {  	v3 =	vld [tilespmem:s29+$0xC200]  }
0x15e: {  	v5 =	vld [tilespmem:s29+$0xC210]  }
0x15f: {  	v6 =	vld [tilespmem:s29+$0xC240];
	v1 =	vmul.f32 $-4.000000000e+02, v1  }
0x160: {  	v7 =	vld [tilespmem:s29+$0xC220];
	v0 =	vmul.f32 $-4.000000000e+02, v0;
	v2 =	vmul.f32 $-4.000000000e+02, v2  }
0x161: {  	s28 =	simm.s32 $0x80;
	v4 =	vmul.f32 $-4.000000000e+02, v4;
	v1 =	vmul.f32 $1.442695020e+00, v1  }
0x162: {  	v8 =	vld [tilespmem:s28+$0xC270];
	v3 =	vmul.f32 $-4.000000000e+02, v3;
	v0 =	vmul.f32 $1.442695020e+00, v0  }
0x163: {  	v9 =	vld [tilespmem:s28+$0xC250];
	v5 =	vmul.f32 $-4.000000000e+02, v5;
	(erf) = vpow2.f32 v1  }
0x164: {  	v6 =	vmul.f32 $-4.000000000e+02, v6;
	v1 =	vld [tilespmem:s28+$0xC260];
	(erf) = vpow2.f32 v0  }
0x165: {  	v7 =	vmul.f32 $-4.000000000e+02, v7;
	v2 =	vmul.f32 $1.442695020e+00, v2  }
0x166: {  	v0 =	vmul.f32 $1.442695020e+00, v4;
	v4 =	vmul.f32 $1.442695020e+00, v6  }
0x167: {  	v3 =	vmul.f32 $1.442695020e+00, v3;
	v6 =	vmul.f32 $1.442695020e+00, v7  }
0x168: {  	v10 =	vld [tilespmem:s28+$0xC200];
	(erf) = vpow2.f32 v4;
	v4 =	vmul.f32 $-4.000000000e+02, v8  }
0x169: {  	v8 =	vmul.f32 $-4.000000000e+02, v9;
	v9 =	vld [tilespmem:s28+$0xC240];
	v1 =	vmul.f32 $-4.000000000e+02, v1  }
0x16a: {  	v5 =	vmul.f32 $1.442695020e+00, v5;
	(erf) = vpow2.f32 v6;
	v6 =	vld [tilespmem:s28+$0xC210]  }
0x16b: {  	(erf) = vpow2.f32 v3;
	v3 =	vmul.f32 $1.442695020e+00, v8;
	v8 =	vld [tilespmem:s28+$0xC220]  }
0x16c: {  	v4 =	vmul.f32 $1.442695020e+00, v4;
	(erf) = vpow2.f32 v0;
	v11 =	vpop (erf)  }
0x16d: {  	(erf) = vpow2.f32 v2;
	v2 =	vmul.f32 $1.442695020e+00, v1;
	v1 =	vpop (erf)  }
0x16e: {  	v7 =	vld [tilespmem:s28+$0xC230];
	v0 =	vmul.f32 $-4.000000000e+02, v10;
	v9 =	vmul.f32 $-4.000000000e+02, v9;
	v1 =	vadd.f32 $1.000000000e+00, v1  }
0x16f: {  	(erf) = vpow2.f32 v3;
	v6 =	vmul.f32 $-4.000000000e+02, v6  }
0x170: {  	s30 =	simm.s32 $0x100;
	v3 =	vadd.f32 $1.000000000e+00, v11;
	v8 =	vmul.f32 $-4.000000000e+02, v8;
	(erf) = vrcp.f32 v1  }
0x171: {  	v10 =	vld [tilespmem:s30+$0xC270];
	v9 =	vmul.f32 $1.442695020e+00, v9;
	(erf) = vpow2.f32 v5  }
0x172: {  	v12 =	vld [tilespmem:s30+$0xC250];
	v8 =	vmul.f32 $1.442695020e+00, v8;
	v5 =	vpop (erf);
	(erf) = vrcp.f32 v3  }
0x173: {  	v7 =	vmul.f32 $-4.000000000e+02, v7;
	v1 =	vpop (erf);
	(erf) = vpow2.f32 v4  }
0x174: {  	v0 =	vmul.f32 $1.442695020e+00, v0;
	v11 =	vld [tilespmem:s30+$0xC260];
	v3 =	vpop (erf);
	v4 =	vadd.f32 $1.000000000e+00, v1;
	(erf) = vpow2.f32 v9  }
0x175: {  	v1 =	vmul.f32 $1.442695020e+00, v6;
	v6 =	vpop (erf);
	v3 =	vadd.f32 $1.000000000e+00, v3;
	(erf) = vpow2.f32 v8  }
0x176: {  	v10 =	vmul.f32 $-4.000000000e+02, v10;
	v8 =	vpop (erf);
	(erf) = vrcp.f32 v4  }
0x177: {  	v4 =	vmul.f32 $-4.000000000e+02, v12;
	v12 =	vadd.f32 $1.000000000e+00, v8;
	(erf) = vrcp.f32 v3  }
0x178: {  	v13 =	vld [tilespmem:s30+$0xC200];
	v7 =	vmul.f32 $1.442695020e+00, v7;
	(erf) = vpow2.f32 v0  }
0x179: {  	v11 =	vmul.f32 $-4.000000000e+02, v11;
	v9 =	vld [tilespmem:s30+$0xC230];
	(erf) = vrcp.f32 v12  }
0x17a: {  	v14 =	vld [tilespmem:s30+$0xC210];
	v6 =	vadd.f32 $1.000000000e+00, v6;
	v3 =	vmul.f32 $1.442695020e+00, v10;
	v10 =	vpop (erf);
	(erf) = vpow2.f32 v7  }
0x17b: {  	v8 =	vmul.f32 $1.442695020e+00, v4;
	v4 =	vpop (erf);
	(erf) = vpow2.f32 v2  }
0x17c: {  	v15 =	vadd.f32 $1.000000000e+00, v5;
	v0 =	vpop (erf);
	(erf) = vrcp.f32 v6;
	v6 =	vld [tilespmem:s30+$0xC240]  }
0x17d: {  	v7 =	vmul.f32 $-4.000000000e+02, v13;
	v2 =	vpop (erf);
	v13 =	vadd.f32 $1.000000000e+00, v0;
	v0 =	vmul.f32 $1.442695020e+00, v11;
	v11 =	vld [tilespmem:s30+$0xC220]  }
0x17e: {  	v12 =	vmul.f32 $-4.000000000e+02, v9;
	v16 =	vpop (erf)  }
0x17f: {  	v5 =	vmul.f32 $-4.000000000e+02, v14;
	v9 =	vadd.f32 $1.000000000e+00, v10;
	[tilespmem:s29+$0x14270] =	vst v4;
	(erf) = vrcp.f32 v15;
	v4 =	vpop (erf)  }
0x180: {  	s31 =	simm.s32 $0x600;
	[tilespmem:s29+$0x14250] =	vst v2;
	v2 =	vmul.f32 $1.442695020e+00, v12;
	v12 =	vadd.f32 $1.000000000e+00, v16;
	(erf) = vrcp.f32 v13;
	v10 =	vpop (erf)  }
.LBB2_8:
0x181: {  	s0 =	sshra.s32 s31, $0x2;
	p0 =	sne.s32 s31, $0xFE00;
	s31 =	sadd.s32 $0x200, s31;
	v6 =	vmul.f32 $-4.000000000e+02, v6;
	(erf) = vpow2.f32 v8;
	v8 =	vpop (erf)  }
0x182: {  	v13 =	vld [tilespmem:s0+$0xC270];
	v11 =	vmul.f32 $-4.000000000e+02, v11;
	(erf) = vrcp.f32 v12;
	v12 =	vpop (erf)  }
0x183: {  	v14 =	vld [tilespmem:s0+$0xC260];
	v15 =	vmul.f32 $1.442695020e+00, v6;
	v16 =	vpop (erf);
	(erf) = vpow2.f32 v1  }
0x184: {  	v17 =	vld [tilespmem:s0+$0xC250];
	v11 =	vmul.f32 $1.442695020e+00, v11;
	(erf) = vrcp.f32 v9;
	v1 =	vpop (erf)  }
0x185: {  	v7 =	vmul.f32 $1.442695020e+00, v7;
	v18 =	vadd.f32 $1.000000000e+00, v10;
	v6 =	vld [tilespmem:s0+$0xC240];
	(erf) = vpow2.f32 v3;
	v9 =	vpop (erf);
	[tilespmem:s29+$0x14260] =	vst v1  }
0x186: {  	v1 =	vmul.f32 $1.442695020e+00, v5;
	v10 =	vld [tilespmem:s0+$0xC200];
	(erf) = vpow2.f32 v15;
	v5 =	vpop (erf);
	[tilespmem:s29+$0x14220] =	vst v8  }
0x187: {  	v19 =	vadd.f32 $1.000000000e+00, v16;
	v15 =	vld [tilespmem:s0+$0xC230];
	v8 =	vmul.f32 $-4.000000000e+02, v13;
	(erf) = vpow2.f32 v11;
	[tilespmem:s29+$0x14200] =	vst v12;
	v12 =	vpop (erf)  }
0x188: {  	v16 =	vadd.f32 $1.000000000e+00, v4;
	v13 =	vld [tilespmem:s0+$0xC210];
	v14 =	vmul.f32 $-4.000000000e+02, v14;
	(erf) = vrcp.f32 v18;
	[tilespmem:s29+$0x14230] =	vst v12;
	v3 =	vpop (erf)  }
0x189: {  	v4 =	vmul.f32 $-4.000000000e+02, v17;
	v17 =	vadd.f32 $1.000000000e+00, v5;
	(erf) = vrcp.f32 v19;
	[tilespmem:s29+$0x14240] =	vst v3;
	v11 =	vpop (erf)  }
0x18a: {  	v3 =	vmul.f32 $1.442695020e+00, v8;
	(erf) = vpow2.f32 v7;
	v12 =	vpop (erf);
	[tilespmem:s29+$0x14210] =	vst v11;
	s29 =	smov.u32 s28;
	s28 =	smov.u32 s30;
	s30 =	smov.u32 s0  }
0x18b: {  	v8 =	vmul.f32 $1.442695020e+00, v4;
	v4 =	vadd.f32 $1.000000000e+00, v9;
	(erf) = vrcp.f32 v17;
	v5 =	vpop (erf)  }
.Ltmp3:
0x18c: {  	v15 =	vmul.f32 $-4.000000000e+02, v15;
	(erf) = vpow2.f32 v2;
	[tilespmem:s29+$0x14270] =	vst v5;
	v2 =	vpop (erf);
	(pc) =	sbr.rel @p0 .LBB2_8-.Ltmp3, $4  }
0x18d: {  	v7 =	vmul.f32 $-4.000000000e+02, v10;
	v11 =	vld [tilespmem:s30+$0xC220];
	(erf) = vpow2.f32 v0;
	v17 =	vadd.f32 $1.000000000e+00, v2;
	v2 =	vpop (erf)  }
0x18e: {  	v0 =	vmul.f32 $1.442695020e+00, v14;
	v10 =	vpop (erf);
	[tilespmem:s29+$0x14250] =	vst v2;
	(erf) = vrcp.f32 v4  }
0x18f: {  	v9 =	vadd.f32 $1.000000000e+00, v12;
	v5 =	vmul.f32 $-4.000000000e+02, v13;
	v4 =	vpop (erf);
	(erf) = vrcp.f32 v16  }
0x190: {  	v2 =	vmul.f32 $1.442695020e+00, v15;
	v12 =	vadd.f32 $1.000000000e+00, v10;
	v10 =	vpop (erf);
	(erf) = vrcp.f32 v17  }
0x191: {  	(erf) = vpow2.f32 v8;
	v23 =	vpop (erf)  }
0x192: {  	v6 =	vmul.f32 $-4.000000000e+02, v6;
	(erf) = vrcp.f32 v12;
	v24 =	vpop (erf)  }
0x193: {  	v11 =	vmul.f32 $-4.000000000e+02, v11;
	v13 =	vpop (erf);
	(erf) = vpow2.f32 v1  }
0x194: {  	v25 =	vmul.f32 $1.442695020e+00, v6;
	(erf) = vrcp.f32 v9;
	v26 =	vpop (erf)  }
0x195: {  	v27 =	vmul.f32 $1.442695020e+00, v11;
	(erf) = vpow2.f32 v3;
	v28 =	vpop (erf)  }
0x196: {  	v10 =	vadd.f32 $1.000000000e+00, v10;
	(erf) = vpow2.f32 v25;
	v29 =	vpop (erf)  }
0x197: {  	v30 =	vadd.f32 $1.000000000e+00, v13;
	(erf) = vpow2.f32 v27;
	v31 =	vpop (erf)  }
0x198: {  	v7 =	vmul.f32 $1.442695020e+00, v7;
	(erf) = vrcp.f32 v10;
	v32 =	vpop (erf)  }
0x199: {  	v1 =	vadd.f32 $1.000000000e+00, v29;
	(erf) = vrcp.f32 v30;
	v33 =	vpop (erf)  }
0x19a: {  	(erf) = vpow2.f32 v7;
	v34 =	vpop (erf)  }
0x19b: {  	(erf) = vrcp.f32 v1;
	v35 =	vpop (erf)  }
0x19c: {  	v3 =	vadd.f32 $1.000000000e+00, v28;
	(erf) = vpow2.f32 v2;
	v36 =	vpop (erf)  }
0x19d: {  	v4 =	vadd.f32 $1.000000000e+00, v4;
	(erf) = vpow2.f32 v0;
	v37 =	vpop (erf)  }
0x19e: {  	v2 =	vadd.f32 $1.000000000e+00, v36;
	v38 =	vpop (erf);
	(erf) = vrcp.f32 v3  }
0x19f: {  	v39 =	vpop (erf);
	(erf) = vrcp.f32 v4;
	v40 =	vadd.f32 $1.000000000e+00, v38  }
0x1a0: {  	v5 =	vmul.f32 $1.442695020e+00, v5;
	v41 =	vpop (erf);
	(erf) = vrcp.f32 v2  }
0x1a1: {  	v42 =	vpop (erf);
	(erf) = vrcp.f32 v40  }
0x1a2: {  	v43 =	vpop (erf);
	(erf) = vpow2.f32 v5  }
0x1a3: {  	[tilespmem:s29+$0x14220] =	vst v23;
	v44 =	vpop (erf)  }
0x1a4: {  	[tilespmem:s29+$0x14200] =	vst v24;
	v46 =	vpop (erf)  }
0x1a5: {  	[tilespmem:s29+$0x14260] =	vst v26;
	v48 =	vpop (erf)  }
0x1a6: {  	[tilespmem:s29+$0x14230] =	vst v31;
	v45 =	vadd.f32 $1.000000000e+00, v34;
	v49 =	vpop (erf)  }
0x1a7: {  	[tilespmem:s29+$0x14240] =	vst v32;
	v47 =	vadd.f32 $1.000000000e+00, v41;
	v50 =	vpop (erf)  }
0x1a8: {  	[tilespmem:s29+$0x14210] =	vst v33;
	v5 =	vadd.f32 $1.000000000e+00, v44;
	(erf) = vrcp.f32 v45;
	v51 =	vpop (erf)  }
0x1a9: {  	[tilespmem:s28+$0x14270] =	vst v35;
	(erf) = vrcp.f32 v47;
	v6 =	vadd.f32 $1.000000000e+00, v49;
	v52 =	vpop (erf)  }
0x1aa: {  	[tilespmem:s28+$0x14250] =	vst v37;
	v53 =	vadd.f32 $1.000000000e+00, v48;
	(erf) = vrcp.f32 v5;
	v54 =	vpop (erf)  }
0x1ab: {  	v3 =	vadd.f32 $1.000000000e+00, v39;
	[tilespmem:s28+$0x14220] =	vst v42;
	(erf) = vrcp.f32 v6;
	v55 =	vpop (erf)  }
0x1ac: {  	[tilespmem:s28+$0x14200] =	vst v43;
	(erf) = vrcp.f32 v53;
	v56 =	vadd.f32 $1.000000000e+00, v55  }
0x1ad: {  	[tilespmem:s28+$0x14260] =	vst v46;
	(erf) = vrcp.f32 v3  }
0x1ae: {  	[tilespmem:s28+$0x14230] =	vst v50;
	(erf) = vrcp.f32 v56  }
0x1af: {  	[tilespmem:s28+$0x14240] =	vst v51  }
0x1b0: {  	[tilespmem:s28+$0x14210] =	vst v52  }
0x1b1: {  	[tilespmem:s30+$0x14270] =	vst v54;
	v57 =	vpop (erf)  }
0x1b2: {  	v58 =	vpop (erf);
	[tilespmem:s30+$0x14250] =	vst v57  }
0x1b3: {  	v59 =	vpop (erf);
	[tilespmem:s30+$0x14220] =	vst v58  }
0x1b4: {  	[tilespmem:s30+$0x14200] =	vst v59;
	v60 =	vpop (erf)  }
0x1b5: {  	[tilespmem:s30+$0x14260] =	vst v60;
	v61 =	vpop (erf)  }
0x1b6: {  	[tilespmem:s30+$0x14230] =	vst v61;
	v62 =	vpop (erf)  }
0x1b7: {  	[tilespmem:s30+$0x14240] =	vst v62;
	v63 =	vpop (erf)  }
0x1b8: {  	s26 =	sadd.s32 $0x1, s26;
	[tilespmem:s30+$0x14210] =	vst v63  }
0x1b9: {  	[hbm4b:s8+s3] =	stream.linear.scatter [tilespmem:s21], [sflag:$0x6], $0x4000, $0x38;
	[tilespmem:$0x18200] =	vst v63  }
0x1ba: {  	p0 =	sne.s32 s26, s9;
	_ =	swait.ge [sflag:s23], $0x4000  }
.Ltmp4:
0x1bb: {  	[sflag:s23] =	ssyncset.done $0x0;
	(pc) =	sbr.rel @p0 .LBB2_1-.Ltmp4, $4  }
0x1bc: {  	[sflag:s23] =	ssyncadd.s32 $0xFFFFC000  }
0x1bd: {  	_ =	swait.ge [sflag:s25], $0x4000  }
0x1be: {  	[sflag:s25] =	ssyncset.done $0x0  }
0x1bf: {  	[sflag:s25] =	ssyncadd.s32 $0xFFFFC000  }
0x1c0: {  	_ =	sfence.sel $0x180000  }
0x1c1: {  	[bflag:$0x0] =	sbarrier.arrive $0xFFFF  }
0x1c2: {  	_ =	strace $0x90000047  }
0x1c3: {  	[bflag:$0x2] =	sbarrier.arrive $0xFFFF  }
0x1c4: {  	p0 =	sne.s32 s2, $0x0;
	s0 =	rddreg [dreg:$0x3]  }
0x1c5: {  	s0 =	sadd.s32 @!p0 $0x100000, s0  }
0x1c6: {  	[sflag:s0] =	ssyncadd.tile.s32 @!p0 $0x1;
	_ =	shalt  }
.Lfunc_end2:
_tile_overlayer_lowered:
.L_overlay_start_2:
0x1c7: {  	(tag) =	ssettag $0x2  }
0x1c8: {  	s0 =	rddreg [dreg:$0x0];
	s2 =	stileid.u32  }
0x1c9: {  	s1 =	rddreg [dreg:$0x1];
	p0 =	sne.s32 s2, $0x0  }
0x1ca: {  	s3 =	rddreg [dreg:$0x2];
	[bflag:$0x3] =	sbarrier.arrive $0xFFFF;
	s2 =	simm.s32 @!p0 $0x1C07  }
0x1cb: {  	[timem:s3], [sflag:s2] =	dma.local @!p0 [hbm:s0], s1  }
0x1cc: {  	s0 =	simm.s32 @!p0 $0x7  }
0x1cd: {  	_ =	swait.ge @!p0 [sflag:s0], s1  }
0x1ce: {  	s1 =	ssub.s32 @!p0 $0x0, s1;
	[sflag:s0] =	ssyncset.done @!p0 $0x0  }
0x1cf: {  	[sflag:s0] =	ssyncadd.s32 @!p0 s1  }
0x1d0: {  	[bflag:$0x3] =	sbarrier.arrive $0xFFFF  }
0x1d1: {  	_ =	shalt  }

</sc_bundles>
